<compile_context>
chip_gen: v7x
topology: tpu7x:2x2x1
jax: 0.10.2.dev20260603
libtpu: 0.0.44.dev20260713+nightly
codegen_flags: <defaults>
</compile_context>

<pallas_src>
import functools

import jax
import jax.numpy as jnp
from jax import lax
from jax.experimental import pallas as pl
from jax.experimental.pallas import tpu as pltpu
from jax.experimental.pallas import tpu_sc as plsc

N = 20000
C = 81
K = 128

NC = 2
NS = 16
NW = NC * NS
L = 16

NPW = 640
NVR = NPW // L
GCH = 5


def _sc_body(probs_hbm, lab_hbm, w_hbm, gt_hbm, part_hbm,
             lab_v, w_v, gt_v, rows_v, psum_v, cnt_v, wsum_v, sem):
    wid = lax.axis_index("c") * NS + lax.axis_index("s")
    true_base = wid * NPW
    base = jnp.minimum(true_base, N - NPW)

    stage = [
        pltpu.async_copy(lab_hbm.at[pl.ds(base, NPW)], lab_v, sem),
        pltpu.async_copy(gt_hbm.at[pl.ds(base, NPW)], gt_v, sem),
        pltpu.async_copy(w_hbm.at[pl.ds(base, NPW)], w_v, sem),
        pltpu.async_copy(probs_hbm.at[pl.ds(base, NPW), :], rows_v, sem),
    ]
    for d in stage:
        d.wait()

    zeros = jnp.zeros((L,), jnp.float32)
    ones = jnp.ones((L,), jnp.float32)
    for j in range(K // L):
        psum_v[pl.ds(j * L, L)] = zeros
        cnt_v[pl.ds(j * L, L)] = zeros
        wsum_v[pl.ds(j * L, L)] = zeros
    for j in range(NVR):
        g = gt_v[pl.ds(j * L, L)]
        w = w_v[pl.ds(j * L, L)]
        labv = jnp.clip(lab_v[pl.ds(j * L, L)], 0, C - 1)
        rids = lax.broadcasted_iota(jnp.int32, (L,), 0) + (j * L)
        p = plsc.load_gather(rows_v, [rids, labv])
        pos = rids + base
        m = pos >= true_base
        p = jnp.minimum(jnp.maximum(p, 1e-9), 1e4)
        plsc.addupdate_scatter(psum_v, [g], p, mask=m)
        plsc.addupdate_scatter(cnt_v, [g], ones, mask=m)
        plsc.addupdate_scatter(wsum_v, [g], w, mask=m)

    pltpu.sync_copy(psum_v, part_hbm.at[wid])
    pltpu.sync_copy(cnt_v, part_hbm.at[NW + wid])
    pltpu.sync_copy(wsum_v, part_hbm.at[2 * NW + wid])


@functools.partial(
    pl.kernel,
    out_type=jax.ShapeDtypeStruct((3 * NW, K), jnp.float32),
    mesh=plsc.VectorSubcoreMesh(core_axis_name="c", subcore_axis_name="s"),
    compiler_params=pltpu.CompilerParams(needs_layout_passes=False),
    scratch_types=[
        pltpu.VMEM((NPW,), jnp.int32),
        pltpu.VMEM((NPW,), jnp.float32),
        pltpu.VMEM((NPW,), jnp.int32),
        pltpu.VMEM((NPW, C), jnp.float32),
        pltpu.VMEM((K,), jnp.float32),
        pltpu.VMEM((K,), jnp.float32),
        pltpu.VMEM((K,), jnp.float32),
        pltpu.SemaphoreType.DMA,
    ],
)
def _sc_partials(probs_hbm, lab_hbm, w_hbm, gt_hbm, part_hbm,
                 lab_v, w_v, gt_v, rows_v, psum_v, cnt_v, wsum_v, sem):
    _sc_body(probs_hbm, lab_hbm, w_hbm, gt_hbm, part_hbm,
             lab_v, w_v, gt_v, rows_v, psum_v, cnt_v, wsum_v, sem)


def _tc_combine_body(part_ref, out_ref):
    x = part_ref[...]
    psum = jnp.sum(x[0:NW, :], axis=0, keepdims=True)
    cnt = jnp.sum(x[NW:2 * NW, :], axis=0, keepdims=True)
    wsum = jnp.sum(x[2 * NW:3 * NW, :], axis=0, keepdims=True)
    valid = cnt > 0.0
    mean = psum / jnp.maximum(cnt, 1.0)
    mean = jnp.where(valid, mean, 1.0)
    contrib = jnp.where(valid, jnp.log(mean) * wsum, 0.0)
    total = jnp.sum(contrib, axis=(0, 1), keepdims=True)
    out_ref[...] = -total * jnp.float32(1.0 / N)


def kernel(pcl_probs, labels, cls_loss_weights, gt_assignments):
    probs = pcl_probs.astype(jnp.float32)
    lab = labels.reshape(-1).astype(jnp.int32)
    w = cls_loss_weights.reshape(-1).astype(jnp.float32)
    gt = gt_assignments.reshape(-1).astype(jnp.int32)

    partials = _sc_partials(probs, lab, w, gt)

    out = pl.pallas_call(
        _tc_combine_body,
        out_shape=jax.ShapeDtypeStruct((1, 1), jnp.float32),
    )(partials)
    return out[0, 0]

# --- scband reference (transcript-rebuilt; emitter-appended) ---
"""Pipeline reference for scband-pcllosses-5025111736796 (READ-ONLY COPY).

The authoritative reference and input builder live on the scoring server;
editing this copy changes nothing except your own understanding.
"""

import jax, jax.numpy as jnp
import numpy as np

N = 20000
C = 81
K = 128

def setup_inputs(seed: int = 0) -> dict:
    key = jax.random.key(seed)
    k1, k2, k3 = jax.random.split(key, 3)
    pcl_probs = jax.random.uniform(k1, (N, C), dtype=jnp.float32)
    # labels all set to class 1: satisfies per-cluster single-label assertion of the torch module
    labels = jnp.ones((N,), dtype=jnp.int32)
    cls_loss_weights = jax.random.uniform(k2, (N,), dtype=jnp.float32)
    # cluster assignments in [0, K): no -1 background branch; sorted -> contiguous clusters
    gt_assignments = jnp.sort(jax.random.randint(k3, (N,), 0, K, dtype=jnp.int32))
    return {"pcl_probs": pcl_probs, "labels": labels,
            "cls_loss_weights": cls_loss_weights, "gt_assignments": gt_assignments}

def reference(pcl_probs, labels, cls_loss_weights, gt_assignments):
    w = cls_loss_weights.reshape(-1).astype(jnp.float32)
    lab = labels.reshape(-1)
    gt = gt_assignments.reshape(-1)
    n = pcl_probs.shape[0]
    # Per-cluster label: labels are constant within each cluster (matches torch assertion),
    # so segment_max recovers label_cur = labels[inds[0]] for each cluster.
    seg_label = jax.ops.segment_max(lab, gt, num_segments=K)
    per_elem_label = jnp.clip(seg_label, 0, C - 1)[gt]
    # pcl_probs[inds, label_cur] gathered for every element
    p = jnp.take_along_axis(pcl_probs, per_elem_label[:, None].astype(jnp.int32), axis=1)[:, 0]
    p = jnp.clip(p, 1e-9, 1e4)
    # per-cluster mean of clamped probs and sum of weights
    seg_psum = jax.ops.segment_sum(p, gt, num_segments=K)
    seg_cnt = jax.ops.segment_sum(jnp.ones_like(p), gt, num_segments=K)
    seg_wsum = jax.ops.segment_sum(w, gt, num_segments=K)
    valid = seg_cnt > 0
    seg_mean = seg_psum / jnp.maximum(seg_cnt, 1.0)
    cls_loss = -jnp.sum(jnp.where(valid, jnp.log(seg_mean) * seg_wsum, 0.0))
    return cls_loss / jnp.maximum(float(n), 1.0)

if __name__ == "__main__":
    import jax
    _d = setup_inputs()
    print(jax.jit(kernel)(*tuple(_d.values())))

</pallas_src>

<mosaic_0001>
#map = affine_map<(d0, d1) -> (0, 0)>
#map1 = affine_map<(d0, d1) -> (0)>
module attributes {stable_mosaic.version = 14 : i64} {
  func.func @_sc_partials(%arg0: i32, %arg1: i32, %arg2: memref<20000x81xf32, #tpu.memory_space<hbm>>, %arg3: memref<20000xi32, #tpu.memory_space<hbm>>, %arg4: memref<20000xf32, #tpu.memory_space<hbm>>, %arg5: memref<20000xi32, #tpu.memory_space<hbm>>, %arg6: memref<96x128xf32, #tpu.memory_space<hbm>>, %arg7: memref<640xi32, #tpu.memory_space<vmem>>, %arg8: memref<640xf32, #tpu.memory_space<vmem>>, %arg9: memref<640xi32, #tpu.memory_space<vmem>>, %arg10: memref<640x81xf32, #tpu.memory_space<vmem>>, %arg11: memref<128xf32, #tpu.memory_space<vmem>>, %arg12: memref<128xf32, #tpu.memory_space<vmem>>, %arg13: memref<128xf32, #tpu.memory_space<vmem>>, %arg14: memref<!tpu.dma_semaphore, #tpu.memory_space<semaphore_mem>>) attributes {dimension_semantics = [#tpu.dimension_semantics<core_parallel>, #tpu.dimension_semantics<subcore_parallel>], iteration_bounds = array<i64: 2, 16>, scalar_prefetch = 0 : i64, scratch_operands = 8 : i64, tpu.core_type = #tpu.core_type<sc_vector_subcore>, window_params = [{transform_indices = #map}, {transform_indices = #map1}, {transform_indices = #map1}, {transform_indices = #map1}, {transform_indices = #map}]} {
    %mul3A = arith.constant 16 : i32
    %mul3A_0 = arith.muli %arg0, %mul3A : i32
    %add3A = arith.addi %mul3A_0, %arg1 : i32
    %mul3A_1 = arith.constant 640 : i32
    %mul3A_2 = arith.muli %add3A, %mul3A_1 : i32
    %min3A = arith.constant 19360 : i32
    %min3A_3 = arith.minsi %mul3A_2, %min3A : i32
    %dma_start3A = tpu.memref_slice %arg3[%min3A_3] : memref<20000xi32, #tpu.memory_space<hbm>> -> memref<640xi32, #tpu.memory_space<hbm>>
    %dma_start3A_4 = tpu.memref_slice %arg3[%min3A_3] : memref<20000xi32, #tpu.memory_space<hbm>> -> memref<640xi32, #tpu.memory_space<hbm>>
    tpu.enqueue_dma source(%dma_start3A_4 : memref<640xi32, #tpu.memory_space<hbm>>) target(%arg7 : memref<640xi32, #tpu.memory_space<vmem>>) target_semaphore(%arg14 : memref<!tpu.dma_semaphore, #tpu.memory_space<semaphore_mem>>)
    %dma_start3A_5 = tpu.memref_slice %arg5[%min3A_3] : memref<20000xi32, #tpu.memory_space<hbm>> -> memref<640xi32, #tpu.memory_space<hbm>>
    %dma_start3A_6 = tpu.memref_slice %arg5[%min3A_3] : memref<20000xi32, #tpu.memory_space<hbm>> -> memref<640xi32, #tpu.memory_space<hbm>>
    tpu.enqueue_dma source(%dma_start3A_6 : memref<640xi32, #tpu.memory_space<hbm>>) target(%arg9 : memref<640xi32, #tpu.memory_space<vmem>>) target_semaphore(%arg14 : memref<!tpu.dma_semaphore, #tpu.memory_space<semaphore_mem>>)
    %dma_start3A_7 = tpu.memref_slice %arg4[%min3A_3] : memref<20000xf32, #tpu.memory_space<hbm>> -> memref<640xf32, #tpu.memory_space<hbm>>
    %dma_start3A_8 = tpu.memref_slice %arg4[%min3A_3] : memref<20000xf32, #tpu.memory_space<hbm>> -> memref<640xf32, #tpu.memory_space<hbm>>
    tpu.enqueue_dma source(%dma_start3A_8 : memref<640xf32, #tpu.memory_space<hbm>>) target(%arg8 : memref<640xf32, #tpu.memory_space<vmem>>) target_semaphore(%arg14 : memref<!tpu.dma_semaphore, #tpu.memory_space<semaphore_mem>>)
    %dma_start3A_9 = arith.constant 0 : i32
    %dma_start3A_10 = tpu.memref_slice %arg2[%min3A_3, %dma_start3A_9] : memref<20000x81xf32, #tpu.memory_space<hbm>> -> memref<640x81xf32, #tpu.memory_space<hbm>>
    %dma_start3A_11 = arith.constant 0 : i32
    %dma_start3A_12 = tpu.memref_slice %arg2[%min3A_3, %dma_start3A_11] : memref<20000x81xf32, #tpu.memory_space<hbm>> -> memref<640x81xf32, #tpu.memory_space<hbm>>
    tpu.enqueue_dma source(%dma_start3A_12 : memref<640x81xf32, #tpu.memory_space<hbm>>) target(%arg10 : memref<640x81xf32, #tpu.memory_space<vmem>>) target_semaphore(%arg14 : memref<!tpu.dma_semaphore, #tpu.memory_space<semaphore_mem>>)
    %dma_wait3A = tpu.memref_slice %arg3[%min3A_3] : memref<20000xi32, #tpu.memory_space<hbm>> -> memref<640xi32, #tpu.memory_space<hbm>>
    %dma_wait3A_13 = tpu.memref_slice %arg3[%min3A_3] : memref<20000xi32, #tpu.memory_space<hbm>> -> memref<640xi32, #tpu.memory_space<hbm>>
    tpu.wait_dma2 semaphore(%arg14 : memref<!tpu.dma_semaphore, #tpu.memory_space<semaphore_mem>>) src(%dma_wait3A_13 : memref<640xi32, #tpu.memory_space<hbm>>) dst(%arg7 : memref<640xi32, #tpu.memory_space<vmem>>)
    %dma_wait3A_14 = tpu.memref_slice %arg5[%min3A_3] : memref<20000xi32, #tpu.memory_space<hbm>> -> memref<640xi32, #tpu.memory_space<hbm>>
    %dma_wait3A_15 = tpu.memref_slice %arg5[%min3A_3] : memref<20000xi32, #tpu.memory_space<hbm>> -> memref<640xi32, #tpu.memory_space<hbm>>
    tpu.wait_dma2 semaphore(%arg14 : memref<!tpu.dma_semaphore, #tpu.memory_space<semaphore_mem>>) src(%dma_wait3A_15 : memref<640xi32, #tpu.memory_space<hbm>>) dst(%arg9 : memref<640xi32, #tpu.memory_space<vmem>>)
    %dma_wait3A_16 = tpu.memref_slice %arg4[%min3A_3] : memref<20000xf32, #tpu.memory_space<hbm>> -> memref<640xf32, #tpu.memory_space<hbm>>
    %dma_wait3A_17 = tpu.memref_slice %arg4[%min3A_3] : memref<20000xf32, #tpu.memory_space<hbm>> -> memref<640xf32, #tpu.memory_space<hbm>>
    tpu.wait_dma2 semaphore(%arg14 : memref<!tpu.dma_semaphore, #tpu.memory_space<semaphore_mem>>) src(%dma_wait3A_17 : memref<640xf32, #tpu.memory_space<hbm>>) dst(%arg8 : memref<640xf32, #tpu.memory_space<vmem>>)
    %dma_wait3A_18 = arith.constant 0 : i32
    %dma_wait3A_19 = tpu.memref_slice %arg2[%min3A_3, %dma_wait3A_18] : memref<20000x81xf32, #tpu.memory_space<hbm>> -> memref<640x81xf32, #tpu.memory_space<hbm>>
    %dma_wait3A_20 = arith.constant 0 : i32
    %dma_wait3A_21 = tpu.memref_slice %arg2[%min3A_3, %dma_wait3A_20] : memref<20000x81xf32, #tpu.memory_space<hbm>> -> memref<640x81xf32, #tpu.memory_space<hbm>>
    tpu.wait_dma2 semaphore(%arg14 : memref<!tpu.dma_semaphore, #tpu.memory_space<semaphore_mem>>) src(%dma_wait3A_21 : memref<640x81xf32, #tpu.memory_space<hbm>>) dst(%arg10 : memref<640x81xf32, #tpu.memory_space<vmem>>)
    %broadcast_in_dim3A = arith.constant 0.000000e+00 : f32
    %broadcast_in_dim3A_22 = vector.broadcast %broadcast_in_dim3A : f32 to vector<16xf32>
    %broadcast_in_dim3A_23 = arith.constant 1.000000e+00 : f32
    %broadcast_in_dim3A_24 = vector.broadcast %broadcast_in_dim3A_23 : f32 to vector<16xf32>
    %swap3A = arith.constant 0 : index
    %swap3A_25 = tpu.vector_load %arg11[%swap3A] {strides = array<i32>} : memref<128xf32, #tpu.memory_space<vmem>>, vector<16xf32>,
    tpu.vector_store %arg11[%swap3A], %broadcast_in_dim3A_22 {strides = array<i32>} : memref<128xf32, #tpu.memory_space<vmem>>, vector<16xf32>,
    %swap3A_26 = arith.constant 0 : index
    %swap3A_27 = tpu.vector_load %arg12[%swap3A_26] {strides = array<i32>} : memref<128xf32, #tpu.memory_space<vmem>>, vector<16xf32>,
    tpu.vector_store %arg12[%swap3A_26], %broadcast_in_dim3A_22 {strides = array<i32>} : memref<128xf32, #tpu.memory_space<vmem>>, vector<16xf32>,
    %swap3A_28 = arith.constant 0 : index
    %swap3A_29 = tpu.vector_load %arg13[%swap3A_28] {strides = array<i32>} : memref<128xf32, #tpu.memory_space<vmem>>, vector<16xf32>,
    tpu.vector_store %arg13[%swap3A_28], %broadcast_in_dim3A_22 {strides = array<i32>} : memref<128xf32, #tpu.memory_space<vmem>>, vector<16xf32>,
    %swap3A_30 = arith.constant 16 : index
    %swap3A_31 = tpu.vector_load %arg11[%swap3A_30] {strides = array<i32>} : memref<128xf32, #tpu.memory_space<vmem>>, vector<16xf32>,
    tpu.vector_store %arg11[%swap3A_30], %broadcast_in_dim3A_22 {strides = array<i32>} : memref<128xf32, #tpu.memory_space<vmem>>, vector<16xf32>,
    %swap3A_32 = arith.constant 16 : index
    %swap3A_33 = tpu.vector_load %arg12[%swap3A_32] {strides = array<i32>} : memref<128xf32, #tpu.memory_space<vmem>>, vector<16xf32>,
    tpu.vector_store %arg12[%swap3A_32], %broadcast_in_dim3A_22 {strides = array<i32>} : memref<128xf32, #tpu.memory_space<vmem>>, vector<16xf32>,
    %swap3A_34 = arith.constant 16 : index
    %swap3A_35 = tpu.vector_load %arg13[%swap3A_34] {strides = array<i32>} : memref<128xf32, #tpu.memory_space<vmem>>, vector<16xf32>,
    tpu.vector_store %arg13[%swap3A_34], %broadcast_in_dim3A_22 {strides = array<i32>} : memref<128xf32, #tpu.memory_space<vmem>>, vector<16xf32>,
    %swap3A_36 = arith.constant 32 : index
    %swap3A_37 = tpu.vector_load %arg11[%swap3A_36] {strides = array<i32>} : memref<128xf32, #tpu.memory_space<vmem>>, vector<16xf32>,
    tpu.vector_store %arg11[%swap3A_36], %broadcast_in_dim3A_22 {strides = array<i32>} : memref<128xf32, #tpu.memory_space<vmem>>, vector<16xf32>,
    %swap3A_38 = arith.constant 32 : index
    %swap3A_39 = tpu.vector_load %arg12[%swap3A_38] {strides = array<i32>} : memref<128xf32, #tpu.memory_space<vmem>>, vector<16xf32>,
    tpu.vector_store %arg12[%swap3A_38], %broadcast_in_dim3A_22 {strides = array<i32>} : memref<128xf32, #tpu.memory_space<vmem>>, vector<16xf32>,
    %swap3A_40 = arith.constant 32 : index
    %swap3A_41 = tpu.vector_load %arg13[%swap3A_40] {strides = array<i32>} : memref<128xf32, #tpu.memory_space<vmem>>, vector<16xf32>,
    tpu.vector_store %arg13[%swap3A_40], %broadcast_in_dim3A_22 {strides = array<i32>} : memref<128xf32, #tpu.memory_space<vmem>>, vector<16xf32>,
    %swap3A_42 = arith.constant 48 : index
    %swap3A_43 = tpu.vector_load %arg11[%swap3A_42] {strides = array<i32>} : memref<128xf32, #tpu.memory_space<vmem>>, vector<16xf32>,
    tpu.vector_store %arg11[%swap3A_42], %broadcast_in_dim3A_22 {strides = array<i32>} : memref<128xf32, #tpu.memory_space<vmem>>, vector<16xf32>,
    %swap3A_44 = arith.constant 48 : index
    %swap3A_45 = tpu.vector_load %arg12[%swap3A_44] {strides = array<i32>} : memref<128xf32, #tpu.memory_space<vmem>>, vector<16xf32>,
    tpu.vector_store %arg12[%swap3A_44], %broadcast_in_dim3A_22 {strides = array<i32>} : memref<128xf32, #tpu.memory_space<vmem>>, vector<16xf32>,
    %swap3A_46 = arith.constant 48 : index
    %swap3A_47 = tpu.vector_load %arg13[%swap3A_46] {strides = array<i32>} : memref<128xf32, #tpu.memory_space<vmem>>, vector<16xf32>,
    tpu.vector_store %arg13[%swap3A_46], %broadcast_in_dim3A_22 {strides = array<i32>} : memref<128xf32, #tpu.memory_space<vmem>>, vector<16xf32>,
    %swap3A_48 = arith.constant 64 : index
    %swap3A_49 = tpu.vector_load %arg11[%swap3A_48] {strides = array<i32>} : memref<128xf32, #tpu.memory_space<vmem>>, vector<16xf32>,
    tpu.vector_store %arg11[%swap3A_48], %broadcast_in_dim3A_22 {strides = array<i32>} : memref<128xf32, #tpu.memory_space<vmem>>, vector<16xf32>,
    %swap3A_50 = arith.constant 64 : index
    %swap3A_51 = tpu.vector_load %arg12[%swap3A_50] {strides = array<i32>} : memref<128xf32, #tpu.memory_space<vmem>>, vector<16xf32>,
    tpu.vector_store %arg12[%swap3A_50], %broadcast_in_dim3A_22 {strides = array<i32>} : memref<128xf32, #tpu.memory_space<vmem>>, vector<16xf32>,
    %swap3A_52 = arith.constant 64 : index
    %swap3A_53 = tpu.vector_load %arg13[%swap3A_52] {strides = array<i32>} : memref<128xf32, #tpu.memory_space<vmem>>, vector<16xf32>,
    tpu.vector_store %arg13[%swap3A_52], %broadcast_in_dim3A_22 {strides = array<i32>} : memref<128xf32, #tpu.memory_space<vmem>>, vector<16xf32>,
    %swap3A_54 = arith.constant 80 : index
    %swap3A_55 = tpu.vector_load %arg11[%swap3A_54] {strides = array<i32>} : memref<128xf32, #tpu.memory_space<vmem>>, vector<16xf32>,
    tpu.vector_store %arg11[%swap3A_54], %broadcast_in_dim3A_22 {strides = array<i32>} : memref<128xf32, #tpu.memory_space<vmem>>, vector<16xf32>,
    %swap3A_56 = arith.constant 80 : index
    %swap3A_57 = tpu.vector_load %arg12[%swap3A_56] {strides = array<i32>} : memref<128xf32, #tpu.memory_space<vmem>>, vector<16xf32>,
    tpu.vector_store %arg12[%swap3A_56], %broadcast_in_dim3A_22 {strides = array<i32>} : memref<128xf32, #tpu.memory_space<vmem>>, vector<16xf32>,
    %swap3A_58 = arith.constant 80 : index
    %swap3A_59 = tpu.vector_load %arg13[%swap3A_58] {strides = array<i32>} : memref<128xf32, #tpu.memory_space<vmem>>, vector<16xf32>,
    tpu.vector_store %arg13[%swap3A_58], %broadcast_in_dim3A_22 {strides = array<i32>} : memref<128xf32, #tpu.memory_space<vmem>>, vector<16xf32>,
    %swap3A_60 = arith.constant 96 : index
    %swap3A_61 = tpu.vector_load %arg11[%swap3A_60] {strides = array<i32>} : memref<128xf32, #tpu.memory_space<vmem>>, vector<16xf32>,
    tpu.vector_store %arg11[%swap3A_60], %broadcast_in_dim3A_22 {strides = array<i32>} : memref<128xf32, #tpu.memory_space<vmem>>, vector<16xf32>,
    %swap3A_62 = arith.constant 96 : index
    %swap3A_63 = tpu.vector_load %arg12[%swap3A_62] {strides = array<i32>} : memref<128xf32, #tpu.memory_space<vmem>>, vector<16xf32>,
    tpu.vector_store %arg12[%swap3A_62], %broadcast_in_dim3A_22 {strides = array<i32>} : memref<128xf32, #tpu.memory_space<vmem>>, vector<16xf32>,
    %swap3A_64 = arith.constant 96 : index
    %swap3A_65 = tpu.vector_load %arg13[%swap3A_64] {strides = array<i32>} : memref<128xf32, #tpu.memory_space<vmem>>, vector<16xf32>,
    tpu.vector_store %arg13[%swap3A_64], %broadcast_in_dim3A_22 {strides = array<i32>} : memref<128xf32, #tpu.memory_space<vmem>>, vector<16xf32>,
    %swap3A_66 = arith.constant 112 : index
    %swap3A_67 = tpu.vector_load %arg11[%swap3A_66] {strides = array<i32>} : memref<128xf32, #tpu.memory_space<vmem>>, vector<16xf32>,
    tpu.vector_store %arg11[%swap3A_66], %broadcast_in_dim3A_22 {strides = array<i32>} : memref<128xf32, #tpu.memory_space<vmem>>, vector<16xf32>,
    %swap3A_68 = arith.constant 112 : index
    %swap3A_69 = tpu.vector_load %arg12[%swap3A_68] {strides = array<i32>} : memref<128xf32, #tpu.memory_space<vmem>>, vector<16xf32>,
    tpu.vector_store %arg12[%swap3A_68], %broadcast_in_dim3A_22 {strides = array<i32>} : memref<128xf32, #tpu.memory_space<vmem>>, vector<16xf32>,
    %swap3A_70 = arith.constant 112 : index
    %swap3A_71 = tpu.vector_load %arg13[%swap3A_70] {strides = array<i32>} : memref<128xf32, #tpu.memory_space<vmem>>, vector<16xf32>,
    tpu.vector_store %arg13[%swap3A_70], %broadcast_in_dim3A_22 {strides = array<i32>} : memref<128xf32, #tpu.memory_space<vmem>>, vector<16xf32>,
    %get3A = arith.constant 0 : index
    %get3A_72 = tpu.vector_load %arg9[%get3A] {strides = array<i32>} : memref<640xi32, #tpu.memory_space<vmem>>, vector<16xi32>,
    %get3A_73 = arith.constant 0 : index
    %get3A_74 = tpu.vector_load %arg8[%get3A_73] {strides = array<i32>} : memref<640xf32, #tpu.memory_space<vmem>>, vector<16xf32>,
    %get3A_75 = arith.constant 0 : index
    %get3A_76 = tpu.vector_load %arg7[%get3A_75] {strides = array<i32>} : memref<640xi32, #tpu.memory_space<vmem>>, vector<16xi32>,
    %jit3A = arith.constant 0 : i32
    %jit3A_77 = arith.constant 80 : i32
    %max3A = vector.broadcast %jit3A : i32 to vector<16xi32>
    %max3A_78 = arith.maxsi %max3A, %get3A_76 : vector<16xi32>
    %min3A_79 = vector.broadcast %jit3A_77 : i32 to vector<16xi32>
    %min3A_80 = arith.minsi %min3A_79, %max3A_78 : vector<16xi32>
    %iota3A = tpu.iota {dimensions = array<i32: 0>} : vector<16xi32>
    %add3A_81 = arith.constant 0 : i32
    %add3A_82 = vector.broadcast %add3A_81 : i32 to vector<16xi32>
    %add3A_83 = arith.addi %iota3A, %add3A_82 : vector<16xi32>
    %gather3A = tpu.vector_load_idx %arg10[%add3A_83, %min3A_80] : memref<640x81xf32, #tpu.memory_space<vmem>>[vector<16xi32>, vector<16xi32>], vector<16xf32>,
    %add3A_84 = vector.broadcast %min3A_3 : i32 to vector<16xi32>
    %add3A_85 = arith.addi %add3A_83, %add3A_84 : vector<16xi32>
    %ge3A = vector.broadcast %mul3A_2 : i32 to vector<16xi32>
    %ge3A_86 = arith.cmpi sge, %add3A_85, %ge3A : vector<16xi32>
    %max3A_87 = arith.constant 9.99999971E-10 : f32
    %max3A_88 = vector.broadcast %max3A_87 : f32 to vector<16xf32>
    %max3A_89 = arith.maximumf %gather3A, %max3A_88 : vector<16xf32>
    %min3A_90 = arith.constant 1.000000e+04 : f32
    %min3A_91 = vector.broadcast %min3A_90 : f32 to vector<16xf32>
    %min3A_92 = arith.minimumf %max3A_89, %min3A_91 : vector<16xf32>
    tpu.vector_store_idx %arg11[%get3A_72], %min3A_92 masked %ge3A_86 {add = true} : memref<128xf32, #tpu.memory_space<vmem>>[vector<16xi32>], vector<16xf32>, vector<16xi1>
    tpu.vector_store_idx %arg12[%get3A_72], %broadcast_in_dim3A_24 masked %ge3A_86 {add = true} : memref<128xf32, #tpu.memory_space<vmem>>[vector<16xi32>], vector<16xf32>, vector<16xi1>
    tpu.vector_store_idx %arg13[%get3A_72], %get3A_74 masked %ge3A_86 {add = true} : memref<128xf32, #tpu.memory_space<vmem>>[vector<16xi32>], vector<16xf32>, vector<16xi1>
    %get3A_93 = arith.constant 16 : index
    %get3A_94 = tpu.vector_load %arg9[%get3A_93] {strides = array<i32>} : memref<640xi32, #tpu.memory_space<vmem>>, vector<16xi32>,
    %get3A_95 = arith.constant 16 : index
    %get3A_96 = tpu.vector_load %arg8[%get3A_95] {strides = array<i32>} : memref<640xf32, #tpu.memory_space<vmem>>, vector<16xf32>,
    %get3A_97 = arith.constant 16 : index
    %get3A_98 = tpu.vector_load %arg7[%get3A_97] {strides = array<i32>} : memref<640xi32, #tpu.memory_space<vmem>>, vector<16xi32>,
    %jit3A_99 = arith.constant 0 : i32
    %jit3A_100 = arith.constant 80 : i32
    %max3A_101 = vector.broadcast %jit3A_99 : i32 to vector<16xi32>
    %max3A_102 = arith.maxsi %max3A_101, %get3A_98 : vector<16xi32>
    %min3A_103 = vector.broadcast %jit3A_100 : i32 to vector<16xi32>
    %min3A_104 = arith.minsi %min3A_103, %max3A_102 : vector<16xi32>
    %iota3A_105 = tpu.iota {dimensions = array<i32: 0>} : vector<16xi32>
    %add3A_106 = arith.constant 16 : i32
    %add3A_107 = vector.broadcast %add3A_106 : i32 to vector<16xi32>
    %add3A_108 = arith.addi %iota3A_105, %add3A_107 : vector<16xi32>
    %gather3A_109 = tpu.vector_load_idx %arg10[%add3A_108, %min3A_104] : memref<640x81xf32, #tpu.memory_space<vmem>>[vector<16xi32>, vector<16xi32>], vector<16xf32>,
    %add3A_110 = vector.broadcast %min3A_3 : i32 to vector<16xi32>
    %add3A_111 = arith.addi %add3A_108, %add3A_110 : vector<16xi32>
    %ge3A_112 = vector.broadcast %mul3A_2 : i32 to vector<16xi32>
    %ge3A_113 = arith.cmpi sge, %add3A_111, %ge3A_112 : vector<16xi32>
    %max3A_114 = arith.constant 9.99999971E-10 : f32
    %max3A_115 = vector.broadcast %max3A_114 : f32 to vector<16xf32>
    %max3A_116 = arith.maximumf %gather3A_109, %max3A_115 : vector<16xf32>
    %min3A_117 = arith.constant 1.000000e+04 : f32
    %min3A_118 = vector.broadcast %min3A_117 : f32 to vector<16xf32>
    %min3A_119 = arith.minimumf %max3A_116, %min3A_118 : vector<16xf32>
    tpu.vector_store_idx %arg11[%get3A_94], %min3A_119 masked %ge3A_113 {add = true} : memref<128xf32, #tpu.memory_space<vmem>>[vector<16xi32>], vector<16xf32>, vector<16xi1>
    tpu.vector_store_idx %arg12[%get3A_94], %broadcast_in_dim3A_24 masked %ge3A_113 {add = true} : memref<128xf32, #tpu.memory_space<vmem>>[vector<16xi32>], vector<16xf32>, vector<16xi1>
    tpu.vector_store_idx %arg13[%get3A_94], %get3A_96 masked %ge3A_113 {add = true} : memref<128xf32, #tpu.memory_space<vmem>>[vector<16xi32>], vector<16xf32>, vector<16xi1>
    %get3A_120 = arith.constant 32 : index
    %get3A_121 = tpu.vector_load %arg9[%get3A_120] {strides = array<i32>} : memref<640xi32, #tpu.memory_space<vmem>>, vector<16xi32>,
    %get3A_122 = arith.constant 32 : index
    %get3A_123 = tpu.vector_load %arg8[%get3A_122] {strides = array<i32>} : memref<640xf32, #tpu.memory_space<vmem>>, vector<16xf32>,
    %get3A_124 = arith.constant 32 : index
    %get3A_125 = tpu.vector_load %arg7[%get3A_124] {strides = array<i32>} : memref<640xi32, #tpu.memory_space<vmem>>, vector<16xi32>,
    %jit3A_126 = arith.constant 0 : i32
    %jit3A_127 = arith.constant 80 : i32
    %max3A_128 = vector.broadcast %jit3A_126 : i32 to vector<16xi32>
    %max3A_129 = arith.maxsi %max3A_128, %get3A_125 : vector<16xi32>
    %min3A_130 = vector.broadcast %jit3A_127 : i32 to vector<16xi32>
    %min3A_131 = arith.minsi %min3A_130, %max3A_129 : vector<16xi32>
    %iota3A_132 = tpu.iota {dimensions = array<i32: 0>} : vector<16xi32>
    %add3A_133 = arith.constant 32 : i32
    %add3A_134 = vector.broadcast %add3A_133 : i32 to vector<16xi32>
    %add3A_135 = arith.addi %iota3A_132, %add3A_134 : vector<16xi32>
    %gather3A_136 = tpu.vector_load_idx %arg10[%add3A_135, %min3A_131] : memref<640x81xf32, #tpu.memory_space<vmem>>[vector<16xi32>, vector<16xi32>], vector<16xf32>,
    %add3A_137 = vector.broadcast %min3A_3 : i32 to vector<16xi32>
    %add3A_138 = arith.addi %add3A_135, %add3A_137 : vector<16xi32>
    %ge3A_139 = vector.broadcast %mul3A_2 : i32 to vector<16xi32>
    %ge3A_140 = arith.cmpi sge, %add3A_138, %ge3A_139 : vector<16xi32>
    %max3A_141 = arith.constant 9.99999971E-10 : f32
    %max3A_142 = vector.broadcast %max3A_141 : f32 to vector<16xf32>
    %max3A_143 = arith.maximumf %gather3A_136, %max3A_142 : vector<16xf32>
    %min3A_144 = arith.constant 1.000000e+04 : f32
    %min3A_145 = vector.broadcast %min3A_144 : f32 to vector<16xf32>
    %min3A_146 = arith.minimumf %max3A_143, %min3A_145 : vector<16xf32>
    tpu.vector_store_idx %arg11[%get3A_121], %min3A_146 masked %ge3A_140 {add = true} : memref<128xf32, #tpu.memory_space<vmem>>[vector<16xi32>], vector<16xf32>, vector<16xi1>
    tpu.vector_store_idx %arg12[%get3A_121], %broadcast_in_dim3A_24 masked %ge3A_140 {add = true} : memref<128xf32, #tpu.memory_space<vmem>>[vector<16xi32>], vector<16xf32>, vector<16xi1>
    tpu.vector_store_idx %arg13[%get3A_121], %get3A_123 masked %ge3A_140 {add = true} : memref<128xf32, #tpu.memory_space<vmem>>[vector<16xi32>], vector<16xf32>, vector<16xi1>
    %get3A_147 = arith.constant 48 : index
    %get3A_148 = tpu.vector_load %arg9[%get3A_147] {strides = array<i32>} : memref<640xi32, #tpu.memory_space<vmem>>, vector<16xi32>,
    %get3A_149 = arith.constant 48 : index
    %get3A_150 = tpu.vector_load %arg8[%get3A_149] {strides = array<i32>} : memref<640xf32, #tpu.memory_space<vmem>>, vector<16xf32>,
    %get3A_151 = arith.constant 48 : index
    %get3A_152 = tpu.vector_load %arg7[%get3A_151] {strides = array<i32>} : memref<640xi32, #tpu.memory_space<vmem>>, vector<16xi32>,
    %jit3A_153 = arith.constant 0 : i32
    %jit3A_154 = arith.constant 80 : i32
    %max3A_155 = vector.broadcast %jit3A_153 : i32 to vector<16xi32>
    %max3A_156 = arith.maxsi %max3A_155, %get3A_152 : vector<16xi32>
    %min3A_157 = vector.broadcast %jit3A_154 : i32 to vector<16xi32>
    %min3A_158 = arith.minsi %min3A_157, %max3A_156 : vector<16xi32>
    %iota3A_159 = tpu.iota {dimensions = array<i32: 0>} : vector<16xi32>
    %add3A_160 = arith.constant 48 : i32
    %add3A_161 = vector.broadcast %add3A_160 : i32 to vector<16xi32>
    %add3A_162 = arith.addi %iota3A_159, %add3A_161 : vector<16xi32>
    %gather3A_163 = tpu.vector_load_idx %arg10[%add3A_162, %min3A_158] : memref<640x81xf32, #tpu.memory_space<vmem>>[vector<16xi32>, vector<16xi32>], vector<16xf32>,
    %add3A_164 = vector.broadcast %min3A_3 : i32 to vector<16xi32>
    %add3A_165 = arith.addi %add3A_162, %add3A_164 : vector<16xi32>
    %ge3A_166 = vector.broadcast %mul3A_2 : i32 to vector<16xi32>
    %ge3A_167 = arith.cmpi sge, %add3A_165, %ge3A_166 : vector<16xi32>
    %max3A_168 = arith.constant 9.99999971E-10 : f32
    %max3A_169 = vector.broadcast %max3A_168 : f32 to vector<16xf32>
    %max3A_170 = arith.maximumf %gather3A_163, %max3A_169 : vector<16xf32>
    %min3A_171 = arith.constant 1.000000e+04 : f32
    %min3A_172 = vector.broadcast %min3A_171 : f32 to vector<16xf32>
    %min3A_173 = arith.minimumf %max3A_170, %min3A_172 : vector<16xf32>
    tpu.vector_store_idx %arg11[%get3A_148], %min3A_173 masked %ge3A_167 {add = true} : memref<128xf32, #tpu.memory_space<vmem>>[vector<16xi32>], vector<16xf32>, vector<16xi1>
    tpu.vector_store_idx %arg12[%get3A_148], %broadcast_in_dim3A_24 masked %ge3A_167 {add = true} : memref<128xf32, #tpu.memory_space<vmem>>[vector<16xi32>], vector<16xf32>, vector<16xi1>
    tpu.vector_store_idx %arg13[%get3A_148], %get3A_150 masked %ge3A_167 {add = true} : memref<128xf32, #tpu.memory_space<vmem>>[vector<16xi32>], vector<16xf32>, vector<16xi1>
    %get3A_174 = arith.constant 64 : index
    %get3A_175 = tpu.vector_load %arg9[%get3A_174] {strides = array<i32>} : memref<640xi32, #tpu.memory_space<vmem>>, vector<16xi32>,
    %get3A_176 = arith.constant 64 : index
    %get3A_177 = tpu.vector_load %arg8[%get3A_176] {strides = array<i32>} : memref<640xf32, #tpu.memory_space<vmem>>, vector<16xf32>,
    %get3A_178 = arith.constant 64 : index
    %get3A_179 = tpu.vector_load %arg7[%get3A_178] {strides = array<i32>} : memref<640xi32, #tpu.memory_space<vmem>>, vector<16xi32>,
    %jit3A_180 = arith.constant 0 : i32
    %jit3A_181 = arith.constant 80 : i32
    %max3A_182 = vector.broadcast %jit3A_180 : i32 to vector<16xi32>
    %max3A_183 = arith.maxsi %max3A_182, %get3A_179 : vector<16xi32>
    %min3A_184 = vector.broadcast %jit3A_181 : i32 to vector<16xi32>
    %min3A_185 = arith.minsi %min3A_184, %max3A_183 : vector<16xi32>
    %iota3A_186 = tpu.iota {dimensions = array<i32: 0>} : vector<16xi32>
    %add3A_187 = arith.constant 64 : i32
    %add3A_188 = vector.broadcast %add3A_187 : i32 to vector<16xi32>
    %add3A_189 = arith.addi %iota3A_186, %add3A_188 : vector<16xi32>
    %gather3A_190 = tpu.vector_load_idx %arg10[%add3A_189, %min3A_185] : memref<640x81xf32, #tpu.memory_space<vmem>>[vector<16xi32>, vector<16xi32>], vector<16xf32>,
    %add3A_191 = vector.broadcast %min3A_3 : i32 to vector<16xi32>
    %add3A_192 = arith.addi %add3A_189, %add3A_191 : vector<16xi32>
    %ge3A_193 = vector.broadcast %mul3A_2 : i32 to vector<16xi32>
    %ge3A_194 = arith.cmpi sge, %add3A_192, %ge3A_193 : vector<16xi32>
    %max3A_195 = arith.constant 9.99999971E-10 : f32
    %max3A_196 = vector.broadcast %max3A_195 : f32 to vector<16xf32>
    %max3A_197 = arith.maximumf %gather3A_190, %max3A_196 : vector<16xf32>
    %min3A_198 = arith.constant 1.000000e+04 : f32
    %min3A_199 = vector.broadcast %min3A_198 : f32 to vector<16xf32>
    %min3A_200 = arith.minimumf %max3A_197, %min3A_199 : vector<16xf32>
    tpu.vector_store_idx %arg11[%get3A_175], %min3A_200 masked %ge3A_194 {add = true} : memref<128xf32, #tpu.memory_space<vmem>>[vector<16xi32>], vector<16xf32>, vector<16xi1>
    tpu.vector_store_idx %arg12[%get3A_175], %broadcast_in_dim3A_24 masked %ge3A_194 {add = true} : memref<128xf32, #tpu.memory_space<vmem>>[vector<16xi32>], vector<16xf32>, vector<16xi1>
    tpu.vector_store_idx %arg13[%get3A_175], %get3A_177 masked %ge3A_194 {add = true} : memref<128xf32, #tpu.memory_space<vmem>>[vector<16xi32>], vector<16xf32>, vector<16xi1>
    %get3A_201 = arith.constant 80 : index
    %get3A_202 = tpu.vector_load %arg9[%get3A_201] {strides = array<i32>} : memref<640xi32, #tpu.memory_space<vmem>>, vector<16xi32>,
    %get3A_203 = arith.constant 80 : index
    %get3A_204 = tpu.vector_load %arg8[%get3A_203] {strides = array<i32>} : memref<640xf32, #tpu.memory_space<vmem>>, vector<16xf32>,
    %get3A_205 = arith.constant 80 : index
    %get3A_206 = tpu.vector_load %arg7[%get3A_205] {strides = array<i32>} : memref<640xi32, #tpu.memory_space<vmem>>, vector<16xi32>,
    %jit3A_207 = arith.constant 0 : i32
    %jit3A_208 = arith.constant 80 : i32
    %max3A_209 = vector.broadcast %jit3A_207 : i32 to vector<16xi32>
    %max3A_210 = arith.maxsi %max3A_209, %get3A_206 : vector<16xi32>
    %min3A_211 = vector.broadcast %jit3A_208 : i32 to vector<16xi32>
    %min3A_212 = arith.minsi %min3A_211, %max3A_210 : vector<16xi32>
    %iota3A_213 = tpu.iota {dimensions = array<i32: 0>} : vector<16xi32>
    %add3A_214 = arith.constant 80 : i32
    %add3A_215 = vector.broadcast %add3A_214 : i32 to vector<16xi32>
    %add3A_216 = arith.addi %iota3A_213, %add3A_215 : vector<16xi32>
    %gather3A_217 = tpu.vector_load_idx %arg10[%add3A_216, %min3A_212] : memref<640x81xf32, #tpu.memory_space<vmem>>[vector<16xi32>, vector<16xi32>], vector<16xf32>,
    %add3A_218 = vector.broadcast %min3A_3 : i32 to vector<16xi32>
    %add3A_219 = arith.addi %add3A_216, %add3A_218 : vector<16xi32>
    %ge3A_220 = vector.broadcast %mul3A_2 : i32 to vector<16xi32>
    %ge3A_221 = arith.cmpi sge, %add3A_219, %ge3A_220 : vector<16xi32>
    %max3A_222 = arith.constant 9.99999971E-10 : f32
    %max3A_223 = vector.broadcast %max3A_222 : f32 to vector<16xf32>
    %max3A_224 = arith.maximumf %gather3A_217, %max3A_223 : vector<16xf32>
    %min3A_225 = arith.constant 1.000000e+04 : f32
    %min3A_226 = vector.broadcast %min3A_225 : f32 to vector<16xf32>
    %min3A_227 = arith.minimumf %max3A_224, %min3A_226 : vector<16xf32>
    tpu.vector_store_idx %arg11[%get3A_202], %min3A_227 masked %ge3A_221 {add = true} : memref<128xf32, #tpu.memory_space<vmem>>[vector<16xi32>], vector<16xf32>, vector<16xi1>
    tpu.vector_store_idx %arg12[%get3A_202], %broadcast_in_dim3A_24 masked %ge3A_221 {add = true} : memref<128xf32, #tpu.memory_space<vmem>>[vector<16xi32>], vector<16xf32>, vector<16xi1>
    tpu.vector_store_idx %arg13[%get3A_202], %get3A_204 masked %ge3A_221 {add = true} : memref<128xf32, #tpu.memory_space<vmem>>[vector<16xi32>], vector<16xf32>, vector<16xi1>
    %get3A_228 = arith.constant 96 : index
    %get3A_229 = tpu.vector_load %arg9[%get3A_228] {strides = array<i32>} : memref<640xi32, #tpu.memory_space<vmem>>, vector<16xi32>,
    %get3A_230 = arith.constant 96 : index
    %get3A_231 = tpu.vector_load %arg8[%get3A_230] {strides = array<i32>} : memref<640xf32, #tpu.memory_space<vmem>>, vector<16xf32>,
    %get3A_232 = arith.constant 96 : index
    %get3A_233 = tpu.vector_load %arg7[%get3A_232] {strides = array<i32>} : memref<640xi32, #tpu.memory_space<vmem>>, vector<16xi32>,
    %jit3A_234 = arith.constant 0 : i32
    %jit3A_235 = arith.constant 80 : i32
    %max3A_236 = vector.broadcast %jit3A_234 : i32 to vector<16xi32>
    %max3A_237 = arith.maxsi %max3A_236, %get3A_233 : vector<16xi32>
    %min3A_238 = vector.broadcast %jit3A_235 : i32 to vector<16xi32>
    %min3A_239 = arith.minsi %min3A_238, %max3A_237 : vector<16xi32>
    %iota3A_240 = tpu.iota {dimensions = array<i32: 0>} : vector<16xi32>
    %add3A_241 = arith.constant 96 : i32
    %add3A_242 = vector.broadcast %add3A_241 : i32 to vector<16xi32>
    %add3A_243 = arith.addi %iota3A_240, %add3A_242 : vector<16xi32>
    %gather3A_244 = tpu.vector_load_idx %arg10[%add3A_243, %min3A_239] : memref<640x81xf32, #tpu.memory_space<vmem>>[vector<16xi32>, vector<16xi32>], vector<16xf32>,
    %add3A_245 = vector.broadcast %min3A_3 : i32 to vector<16xi32>
    %add3A_246 = arith.addi %add3A_243, %add3A_245 : vector<16xi32>
    %ge3A_247 = vector.broadcast %mul3A_2 : i32 to vector<16xi32>
    %ge3A_248 = arith.cmpi sge, %add3A_246, %ge3A_247 : vector<16xi32>
    %max3A_249 = arith.constant 9.99999971E-10 : f32
    %max3A_250 = vector.broadcast %max3A_249 : f32 to vector<16xf32>
    %max3A_251 = arith.maximumf %gather3A_244, %max3A_250 : vector<16xf32>
    %min3A_252 = arith.constant 1.000000e+04 : f32
    %min3A_253 = vector.broadcast %min3A_252 : f32 to vector<16xf32>
    %min3A_254 = arith.minimumf %max3A_251, %min3A_253 : vector<16xf32>
    tpu.vector_store_idx %arg11[%get3A_229], %min3A_254 masked %ge3A_248 {add = true} : memref<128xf32, #tpu.memory_space<vmem>>[vector<16xi32>], vector<16xf32>, vector<16xi1>
    tpu.vector_store_idx %arg12[%get3A_229], %broadcast_in_dim3A_24 masked %ge3A_248 {add = true} : memref<128xf32, #tpu.memory_space<vmem>>[vector<16xi32>], vector<16xf32>, vector<16xi1>
    tpu.vector_store_idx %arg13[%get3A_229], %get3A_231 masked %ge3A_248 {add = true} : memref<128xf32, #tpu.memory_space<vmem>>[vector<16xi32>], vector<16xf32>, vector<16xi1>
    %get3A_255 = arith.constant 112 : index
    %get3A_256 = tpu.vector_load %arg9[%get3A_255] {strides = array<i32>} : memref<640xi32, #tpu.memory_space<vmem>>, vector<16xi32>,
    %get3A_257 = arith.constant 112 : index
    %get3A_258 = tpu.vector_load %arg8[%get3A_257] {strides = array<i32>} : memref<640xf32, #tpu.memory_space<vmem>>, vector<16xf32>,
    %get3A_259 = arith.constant 112 : index
    %get3A_260 = tpu.vector_load %arg7[%get3A_259] {strides = array<i32>} : memref<640xi32, #tpu.memory_space<vmem>>, vector<16xi32>,
    %jit3A_261 = arith.constant 0 : i32
    %jit3A_262 = arith.constant 80 : i32
    %max3A_263 = vector.broadcast %jit3A_261 : i32 to vector<16xi32>
    %max3A_264 = arith.maxsi %max3A_263, %get3A_260 : vector<16xi32>
    %min3A_265 = vector.broadcast %jit3A_262 : i32 to vector<16xi32>
    %min3A_266 = arith.minsi %min3A_265, %max3A_264 : vector<16xi32>
    %iota3A_267 = tpu.iota {dimensions = array<i32: 0>} : vector<16xi32>
    %add3A_268 = arith.constant 112 : i32
    %add3A_269 = vector.broadcast %add3A_268 : i32 to vector<16xi32>
    %add3A_270 = arith.addi %iota3A_267, %add3A_269 : vector<16xi32>
    %gather3A_271 = tpu.vector_load_idx %arg10[%add3A_270, %min3A_266] : memref<640x81xf32, #tpu.memory_space<vmem>>[vector<16xi32>, vector<16xi32>], vector<16xf32>,
    %add3A_272 = vector.broadcast %min3A_3 : i32 to vector<16xi32>
    %add3A_273 = arith.addi %add3A_270, %add3A_272 : vector<16xi32>
    %ge3A_274 = vector.broadcast %mul3A_2 : i32 to vector<16xi32>
    %ge3A_275 = arith.cmpi sge, %add3A_273, %ge3A_274 : vector<16xi32>
    %max3A_276 = arith.constant 9.99999971E-10 : f32
    %max3A_277 = vector.broadcast %max3A_276 : f32 to vector<16xf32>
    %max3A_278 = arith.maximumf %gather3A_271, %max3A_277 : vector<16xf32>
    %min3A_279 = arith.constant 1.000000e+04 : f32
    %min3A_280 = vector.broadcast %min3A_279 : f32 to vector<16xf32>
    %min3A_281 = arith.minimumf %max3A_278, %min3A_280 : vector<16xf32>
    tpu.vector_store_idx %arg11[%get3A_256], %min3A_281 masked %ge3A_275 {add = true} : memref<128xf32, #tpu.memory_space<vmem>>[vector<16xi32>], vector<16xf32>, vector<16xi1>
    tpu.vector_store_idx %arg12[%get3A_256], %broadcast_in_dim3A_24 masked %ge3A_275 {add = true} : memref<128xf32, #tpu.memory_space<vmem>>[vector<16xi32>], vector<16xf32>, vector<16xi1>
    tpu.vector_store_idx %arg13[%get3A_256], %get3A_258 masked %ge3A_275 {add = true} : memref<128xf32, #tpu.memory_space<vmem>>[vector<16xi32>], vector<16xf32>, vector<16xi1>
    %get3A_282 = arith.constant 128 : index
    %get3A_283 = tpu.vector_load %arg9[%get3A_282] {strides = array<i32>} : memref<640xi32, #tpu.memory_space<vmem>>, vector<16xi32>,
    %get3A_284 = arith.constant 128 : index
    %get3A_285 = tpu.vector_load %arg8[%get3A_284] {strides = array<i32>} : memref<640xf32, #tpu.memory_space<vmem>>, vector<16xf32>,
    %get3A_286 = arith.constant 128 : index
    %get3A_287 = tpu.vector_load %arg7[%get3A_286] {strides = array<i32>} : memref<640xi32, #tpu.memory_space<vmem>>, vector<16xi32>,
    %jit3A_288 = arith.constant 0 : i32
    %jit3A_289 = arith.constant 80 : i32
    %max3A_290 = vector.broadcast %jit3A_288 : i32 to vector<16xi32>
    %max3A_291 = arith.maxsi %max3A_290, %get3A_287 : vector<16xi32>
    %min3A_292 = vector.broadcast %jit3A_289 : i32 to vector<16xi32>
    %min3A_293 = arith.minsi %min3A_292, %max3A_291 : vector<16xi32>
    %iota3A_294 = tpu.iota {dimensions = array<i32: 0>} : vector<16xi32>
    %add3A_295 = arith.constant 128 : i32
    %add3A_296 = vector.broadcast %add3A_295 : i32 to vector<16xi32>
    %add3A_297 = arith.addi %iota3A_294, %add3A_296 : vector<16xi32>
    %gather3A_298 = tpu.vector_load_idx %arg10[%add3A_297, %min3A_293] : memref<640x81xf32, #tpu.memory_space<vmem>>[vector<16xi32>, vector<16xi32>], vector<16xf32>,
    %add3A_299 = vector.broadcast %min3A_3 : i32 to vector<16xi32>
    %add3A_300 = arith.addi %add3A_297, %add3A_299 : vector<16xi32>
    %ge3A_301 = vector.broadcast %mul3A_2 : i32 to vector<16xi32>
    %ge3A_302 = arith.cmpi sge, %add3A_300, %ge3A_301 : vector<16xi32>
    %max3A_303 = arith.constant 9.99999971E-10 : f32
    %max3A_304 = vector.broadcast %max3A_303 : f32 to vector<16xf32>
    %max3A_305 = arith.maximumf %gather3A_298, %max3A_304 : vector<16xf32>
    %min3A_306 = arith.constant 1.000000e+04 : f32
    %min3A_307 = vector.broadcast %min3A_306 : f32 to vector<16xf32>
    %min3A_308 = arith.minimumf %max3A_305, %min3A_307 : vector<16xf32>
    tpu.vector_store_idx %arg11[%get3A_283], %min3A_308 masked %ge3A_302 {add = true} : memref<128xf32, #tpu.memory_space<vmem>>[vector<16xi32>], vector<16xf32>, vector<16xi1>
    tpu.vector_store_idx %arg12[%get3A_283], %broadcast_in_dim3A_24 masked %ge3A_302 {add = true} : memref<128xf32, #tpu.memory_space<vmem>>[vector<16xi32>], vector<16xf32>, vector<16xi1>
    tpu.vector_store_idx %arg13[%get3A_283], %get3A_285 masked %ge3A_302 {add = true} : memref<128xf32, #tpu.memory_space<vmem>>[vector<16xi32>], vector<16xf32>, vector<16xi1>
    %get3A_309 = arith.constant 144 : index
    %get3A_310 = tpu.vector_load %arg9[%get3A_309] {strides = array<i32>} : memref<640xi32, #tpu.memory_space<vmem>>, vector<16xi32>,
    %get3A_311 = arith.constant 144 : index
    %get3A_312 = tpu.vector_load %arg8[%get3A_311] {strides = array<i32>} : memref<640xf32, #tpu.memory_space<vmem>>, vector<16xf32>,
    %get3A_313 = arith.constant 144 : index
    %get3A_314 = tpu.vector_load %arg7[%get3A_313] {strides = array<i32>} : memref<640xi32, #tpu.memory_space<vmem>>, vector<16xi32>,
    %jit3A_315 = arith.constant 0 : i32
    %jit3A_316 = arith.constant 80 : i32
    %max3A_317 = vector.broadcast %jit3A_315 : i32 to vector<16xi32>
    %max3A_318 = arith.maxsi %max3A_317, %get3A_314 : vector<16xi32>
    %min3A_319 = vector.broadcast %jit3A_316 : i32 to vector<16xi32>
    %min3A_320 = arith.minsi %min3A_319, %max3A_318 : vector<16xi32>
    %iota3A_321 = tpu.iota {dimensions = array<i32: 0>} : vector<16xi32>
    %add3A_322 = arith.constant 144 : i32
    %add3A_323 = vector.broadcast %add3A_322 : i32 to vector<16xi32>
    %add3A_324 = arith.addi %iota3A_321, %add3A_323 : vector<16xi32>
    %gather3A_325 = tpu.vector_load_idx %arg10[%add3A_324, %min3A_320] : memref<640x81xf32, #tpu.memory_space<vmem>>[vector<16xi32>, vector<16xi32>], vector<16xf32>,
    %add3A_326 = vector.broadcast %min3A_3 : i32 to vector<16xi32>
    %add3A_327 = arith.addi %add3A_324, %add3A_326 : vector<16xi32>
    %ge3A_328 = vector.broadcast %mul3A_2 : i32 to vector<16xi32>
    %ge3A_329 = arith.cmpi sge, %add3A_327, %ge3A_328 : vector<16xi32>
    %max3A_330 = arith.constant 9.99999971E-10 : f32
    %max3A_331 = vector.broadcast %max3A_330 : f32 to vector<16xf32>
    %max3A_332 = arith.maximumf %gather3A_325, %max3A_331 : vector<16xf32>
    %min3A_333 = arith.constant 1.000000e+04 : f32
    %min3A_334 = vector.broadcast %min3A_333 : f32 to vector<16xf32>
    %min3A_335 = arith.minimumf %max3A_332, %min3A_334 : vector<16xf32>
    tpu.vector_store_idx %arg11[%get3A_310], %min3A_335 masked %ge3A_329 {add = true} : memref<128xf32, #tpu.memory_space<vmem>>[vector<16xi32>], vector<16xf32>, vector<16xi1>
    tpu.vector_store_idx %arg12[%get3A_310], %broadcast_in_dim3A_24 masked %ge3A_329 {add = true} : memref<128xf32, #tpu.memory_space<vmem>>[vector<16xi32>], vector<16xf32>, vector<16xi1>
    tpu.vector_store_idx %arg13[%get3A_310], %get3A_312 masked %ge3A_329 {add = true} : memref<128xf32, #tpu.memory_space<vmem>>[vector<16xi32>], vector<16xf32>, vector<16xi1>
    %get3A_336 = arith.constant 160 : index
    %get3A_337 = tpu.vector_load %arg9[%get3A_336] {strides = array<i32>} : memref<640xi32, #tpu.memory_space<vmem>>, vector<16xi32>,
    %get3A_338 = arith.constant 160 : index
    %get3A_339 = tpu.vector_load %arg8[%get3A_338] {strides = array<i32>} : memref<640xf32, #tpu.memory_space<vmem>>, vector<16xf32>,
    %get3A_340 = arith.constant 160 : index
    %get3A_341 = tpu.vector_load %arg7[%get3A_340] {strides = array<i32>} : memref<640xi32, #tpu.memory_space<vmem>>, vector<16xi32>,
    %jit3A_342 = arith.constant 0 : i32
    %jit3A_343 = arith.constant 80 : i32
    %max3A_344 = vector.broadcast %jit3A_342 : i32 to vector<16xi32>
    %max3A_345 = arith.maxsi %max3A_344, %get3A_341 : vector<16xi32>
    %min3A_346 = vector.broadcast %jit3A_343 : i32 to vector<16xi32>
    %min3A_347 = arith.minsi %min3A_346, %max3A_345 : vector<16xi32>
    %iota3A_348 = tpu.iota {dimensions = array<i32: 0>} : vector<16xi32>
    %add3A_349 = arith.constant 160 : i32
    %add3A_350 = vector.broadcast %add3A_349 : i32 to vector<16xi32>
    %add3A_351 = arith.addi %iota3A_348, %add3A_350 : vector<16xi32>
    %gather3A_352 = tpu.vector_load_idx %arg10[%add3A_351, %min3A_347] : memref<640x81xf32, #tpu.memory_space<vmem>>[vector<16xi32>, vector<16xi32>], vector<16xf32>,
    %add3A_353 = vector.broadcast %min3A_3 : i32 to vector<16xi32>
    %add3A_354 = arith.addi %add3A_351, %add3A_353 : vector<16xi32>
    %ge3A_355 = vector.broadcast %mul3A_2 : i32 to vector<16xi32>
    %ge3A_356 = arith.cmpi sge, %add3A_354, %ge3A_355 : vector<16xi32>
    %max3A_357 = arith.constant 9.99999971E-10 : f32
    %max3A_358 = vector.broadcast %max3A_357 : f32 to vector<16xf32>
    %max3A_359 = arith.maximumf %gather3A_352, %max3A_358 : vector<16xf32>
    %min3A_360 = arith.constant 1.000000e+04 : f32
    %min3A_361 = vector.broadcast %min3A_360 : f32 to vector<16xf32>
    %min3A_362 = arith.minimumf %max3A_359, %min3A_361 : vector<16xf32>
    tpu.vector_store_idx %arg11[%get3A_337], %min3A_362 masked %ge3A_356 {add = true} : memref<128xf32, #tpu.memory_space<vmem>>[vector<16xi32>], vector<16xf32>, vector<16xi1>
    tpu.vector_store_idx %arg12[%get3A_337], %broadcast_in_dim3A_24 masked %ge3A_356 {add = true} : memref<128xf32, #tpu.memory_space<vmem>>[vector<16xi32>], vector<16xf32>, vector<16xi1>
    tpu.vector_store_idx %arg13[%get3A_337], %get3A_339 masked %ge3A_356 {add = true} : memref<128xf32, #tpu.memory_space<vmem>>[vector<16xi32>], vector<16xf32>, vector<16xi1>
    %get3A_363 = arith.constant 176 : index
    %get3A_364 = tpu.vector_load %arg9[%get3A_363] {strides = array<i32>} : memref<640xi32, #tpu.memory_space<vmem>>, vector<16xi32>,
    %get3A_365 = arith.constant 176 : index
    %get3A_366 = tpu.vector_load %arg8[%get3A_365] {strides = array<i32>} : memref<640xf32, #tpu.memory_space<vmem>>, vector<16xf32>,
    %get3A_367 = arith.constant 176 : index
    %get3A_368 = tpu.vector_load %arg7[%get3A_367] {strides = array<i32>} : memref<640xi32, #tpu.memory_space<vmem>>, vector<16xi32>,
    %jit3A_369 = arith.constant 0 : i32
    %jit3A_370 = arith.constant 80 : i32
    %max3A_371 = vector.broadcast %jit3A_369 : i32 to vector<16xi32>
    %max3A_372 = arith.maxsi %max3A_371, %get3A_368 : vector<16xi32>
    %min3A_373 = vector.broadcast %jit3A_370 : i32 to vector<16xi32>
    %min3A_374 = arith.minsi %min3A_373, %max3A_372 : vector<16xi32>
    %iota3A_375 = tpu.iota {dimensions = array<i32: 0>} : vector<16xi32>
    %add3A_376 = arith.constant 176 : i32
    %add3A_377 = vector.broadcast %add3A_376 : i32 to vector<16xi32>
    %add3A_378 = arith.addi %iota3A_375, %add3A_377 : vector<16xi32>
    %gather3A_379 = tpu.vector_load_idx %arg10[%add3A_378, %min3A_374] : memref<640x81xf32, #tpu.memory_space<vmem>>[vector<16xi32>, vector<16xi32>], vector<16xf32>,
    %add3A_380 = vector.broadcast %min3A_3 : i32 to vector<16xi32>
    %add3A_381 = arith.addi %add3A_378, %add3A_380 : vector<16xi32>
    %ge3A_382 = vector.broadcast %mul3A_2 : i32 to vector<16xi32>
    %ge3A_383 = arith.cmpi sge, %add3A_381, %ge3A_382 : vector<16xi32>
    %max3A_384 = arith.constant 9.99999971E-10 : f32
    %max3A_385 = vector.broadcast %max3A_384 : f32 to vector<16xf32>
    %max3A_386 = arith.maximumf %gather3A_379, %max3A_385 : vector<16xf32>
    %min3A_387 = arith.constant 1.000000e+04 : f32
    %min3A_388 = vector.broadcast %min3A_387 : f32 to vector<16xf32>
    %min3A_389 = arith.minimumf %max3A_386, %min3A_388 : vector<16xf32>
    tpu.vector_store_idx %arg11[%get3A_364], %min3A_389 masked %ge3A_383 {add = true} : memref<128xf32, #tpu.memory_space<vmem>>[vector<16xi32>], vector<16xf32>, vector<16xi1>
    tpu.vector_store_idx %arg12[%get3A_364], %broadcast_in_dim3A_24 masked %ge3A_383 {add = true} : memref<128xf32, #tpu.memory_space<vmem>>[vector<16xi32>], vector<16xf32>, vector<16xi1>
    tpu.vector_store_idx %arg13[%get3A_364], %get3A_366 masked %ge3A_383 {add = true} : memref<128xf32, #tpu.memory_space<vmem>>[vector<16xi32>], vector<16xf32>, vector<16xi1>
    %get3A_390 = arith.constant 192 : index
    %get3A_391 = tpu.vector_load %arg9[%get3A_390] {strides = array<i32>} : memref<640xi32, #tpu.memory_space<vmem>>, vector<16xi32>,
    %get3A_392 = arith.constant 192 : index
    %get3A_393 = tpu.vector_load %arg8[%get3A_392] {strides = array<i32>} : memref<640xf32, #tpu.memory_space<vmem>>, vector<16xf32>,
    %get3A_394 = arith.constant 192 : index
    %get3A_395 = tpu.vector_load %arg7[%get3A_394] {strides = array<i32>} : memref<640xi32, #tpu.memory_space<vmem>>, vector<16xi32>,
    %jit3A_396 = arith.constant 0 : i32
    %jit3A_397 = arith.constant 80 : i32
    %max3A_398 = vector.broadcast %jit3A_396 : i32 to vector<16xi32>
    %max3A_399 = arith.maxsi %max3A_398, %get3A_395 : vector<16xi32>
    %min3A_400 = vector.broadcast %jit3A_397 : i32 to vector<16xi32>
    %min3A_401 = arith.minsi %min3A_400, %max3A_399 : vector<16xi32>
    %iota3A_402 = tpu.iota {dimensions = array<i32: 0>} : vector<16xi32>
    %add3A_403 = arith.constant 192 : i32
    %add3A_404 = vector.broadcast %add3A_403 : i32 to vector<16xi32>
    %add3A_405 = arith.addi %iota3A_402, %add3A_404 : vector<16xi32>
    %gather3A_406 = tpu.vector_load_idx %arg10[%add3A_405, %min3A_401] : memref<640x81xf32, #tpu.memory_space<vmem>>[vector<16xi32>, vector<16xi32>], vector<16xf32>,
    %add3A_407 = vector.broadcast %min3A_3 : i32 to vector<16xi32>
    %add3A_408 = arith.addi %add3A_405, %add3A_407 : vector<16xi32>
    %ge3A_409 = vector.broadcast %mul3A_2 : i32 to vector<16xi32>
    %ge3A_410 = arith.cmpi sge, %add3A_408, %ge3A_409 : vector<16xi32>
    %max3A_411 = arith.constant 9.99999971E-10 : f32
    %max3A_412 = vector.broadcast %max3A_411 : f32 to vector<16xf32>
    %max3A_413 = arith.maximumf %gather3A_406, %max3A_412 : vector<16xf32>
    %min3A_414 = arith.constant 1.000000e+04 : f32
    %min3A_415 = vector.broadcast %min3A_414 : f32 to vector<16xf32>
    %min3A_416 = arith.minimumf %max3A_413, %min3A_415 : vector<16xf32>
    tpu.vector_store_idx %arg11[%get3A_391], %min3A_416 masked %ge3A_410 {add = true} : memref<128xf32, #tpu.memory_space<vmem>>[vector<16xi32>], vector<16xf32>, vector<16xi1>
    tpu.vector_store_idx %arg12[%get3A_391], %broadcast_in_dim3A_24 masked %ge3A_410 {add = true} : memref<128xf32, #tpu.memory_space<vmem>>[vector<16xi32>], vector<16xf32>, vector<16xi1>
    tpu.vector_store_idx %arg13[%get3A_391], %get3A_393 masked %ge3A_410 {add = true} : memref<128xf32, #tpu.memory_space<vmem>>[vector<16xi32>], vector<16xf32>, vector<16xi1>
    %get3A_417 = arith.constant 208 : index
    %get3A_418 = tpu.vector_load %arg9[%get3A_417] {strides = array<i32>} : memref<640xi32, #tpu.memory_space<vmem>>, vector<16xi32>,
    %get3A_419 = arith.constant 208 : index
    %get3A_420 = tpu.vector_load %arg8[%get3A_419] {strides = array<i32>} : memref<640xf32, #tpu.memory_space<vmem>>, vector<16xf32>,
    %get3A_421 = arith.constant 208 : index
    %get3A_422 = tpu.vector_load %arg7[%get3A_421] {strides = array<i32>} : memref<640xi32, #tpu.memory_space<vmem>>, vector<16xi32>,
    %jit3A_423 = arith.constant 0 : i32
    %jit3A_424 = arith.constant 80 : i32
    %max3A_425 = vector.broadcast %jit3A_423 : i32 to vector<16xi32>
    %max3A_426 = arith.maxsi %max3A_425, %get3A_422 : vector<16xi32>
    %min3A_427 = vector.broadcast %jit3A_424 : i32 to vector<16xi32>
    %min3A_428 = arith.minsi %min3A_427, %max3A_426 : vector<16xi32>
    %iota3A_429 = tpu.iota {dimensions = array<i32: 0>} : vector<16xi32>
    %add3A_430 = arith.constant 208 : i32
    %add3A_431 = vector.broadcast %add3A_430 : i32 to vector<16xi32>
    %add3A_432 = arith.addi %iota3A_429, %add3A_431 : vector<16xi32>
    %gather3A_433 = tpu.vector_load_idx %arg10[%add3A_432, %min3A_428] : memref<640x81xf32, #tpu.memory_space<vmem>>[vector<16xi32>, vector<16xi32>], vector<16xf32>,
    %add3A_434 = vector.broadcast %min3A_3 : i32 to vector<16xi32>
    %add3A_435 = arith.addi %add3A_432, %add3A_434 : vector<16xi32>
    %ge3A_436 = vector.broadcast %mul3A_2 : i32 to vector<16xi32>
    %ge3A_437 = arith.cmpi sge, %add3A_435, %ge3A_436 : vector<16xi32>
    %max3A_438 = arith.constant 9.99999971E-10 : f32
    %max3A_439 = vector.broadcast %max3A_438 : f32 to vector<16xf32>
    %max3A_440 = arith.maximumf %gather3A_433, %max3A_439 : vector<16xf32>
    %min3A_441 = arith.constant 1.000000e+04 : f32
    %min3A_442 = vector.broadcast %min3A_441 : f32 to vector<16xf32>
    %min3A_443 = arith.minimumf %max3A_440, %min3A_442 : vector<16xf32>
    tpu.vector_store_idx %arg11[%get3A_418], %min3A_443 masked %ge3A_437 {add = true} : memref<128xf32, #tpu.memory_space<vmem>>[vector<16xi32>], vector<16xf32>, vector<16xi1>
    tpu.vector_store_idx %arg12[%get3A_418], %broadcast_in_dim3A_24 masked %ge3A_437 {add = true} : memref<128xf32, #tpu.memory_space<vmem>>[vector<16xi32>], vector<16xf32>, vector<16xi1>
    tpu.vector_store_idx %arg13[%get3A_418], %get3A_420 masked %ge3A_437 {add = true} : memref<128xf32, #tpu.memory_space<vmem>>[vector<16xi32>], vector<16xf32>, vector<16xi1>
    %get3A_444 = arith.constant 224 : index
    %get3A_445 = tpu.vector_load %arg9[%get3A_444] {strides = array<i32>} : memref<640xi32, #tpu.memory_space<vmem>>, vector<16xi32>,
    %get3A_446 = arith.constant 224 : index
    %get3A_447 = tpu.vector_load %arg8[%get3A_446] {strides = array<i32>} : memref<640xf32, #tpu.memory_space<vmem>>, vector<16xf32>,
    %get3A_448 = arith.constant 224 : index
    %get3A_449 = tpu.vector_load %arg7[%get3A_448] {strides = array<i32>} : memref<640xi32, #tpu.memory_space<vmem>>, vector<16xi32>,
    %jit3A_450 = arith.constant 0 : i32
    %jit3A_451 = arith.constant 80 : i32
    %max3A_452 = vector.broadcast %jit3A_450 : i32 to vector<16xi32>
    %max3A_453 = arith.maxsi %max3A_452, %get3A_449 : vector<16xi32>
    %min3A_454 = vector.broadcast %jit3A_451 : i32 to vector<16xi32>
    %min3A_455 = arith.minsi %min3A_454, %max3A_453 : vector<16xi32>
    %iota3A_456 = tpu.iota {dimensions = array<i32: 0>} : vector<16xi32>
    %add3A_457 = arith.constant 224 : i32
    %add3A_458 = vector.broadcast %add3A_457 : i32 to vector<16xi32>
    %add3A_459 = arith.addi %iota3A_456, %add3A_458 : vector<16xi32>
    %gather3A_460 = tpu.vector_load_idx %arg10[%add3A_459, %min3A_455] : memref<640x81xf32, #tpu.memory_space<vmem>>[vector<16xi32>, vector<16xi32>], vector<16xf32>,
    %add3A_461 = vector.broadcast %min3A_3 : i32 to vector<16xi32>
    %add3A_462 = arith.addi %add3A_459, %add3A_461 : vector<16xi32>
    %ge3A_463 = vector.broadcast %mul3A_2 : i32 to vector<16xi32>
    %ge3A_464 = arith.cmpi sge, %add3A_462, %ge3A_463 : vector<16xi32>
    %max3A_465 = arith.constant 9.99999971E-10 : f32
    %max3A_466 = vector.broadcast %max3A_465 : f32 to vector<16xf32>
    %max3A_467 = arith.maximumf %gather3A_460, %max3A_466 : vector<16xf32>
    %min3A_468 = arith.constant 1.000000e+04 : f32
    %min3A_469 = vector.broadcast %min3A_468 : f32 to vector<16xf32>
    %min3A_470 = arith.minimumf %max3A_467, %min3A_469 : vector<16xf32>
    tpu.vector_store_idx %arg11[%get3A_445], %min3A_470 masked %ge3A_464 {add = true} : memref<128xf32, #tpu.memory_space<vmem>>[vector<16xi32>], vector<16xf32>, vector<16xi1>
    tpu.vector_store_idx %arg12[%get3A_445], %broadcast_in_dim3A_24 masked %ge3A_464 {add = true} : memref<128xf32, #tpu.memory_space<vmem>>[vector<16xi32>], vector<16xf32>, vector<16xi1>
    tpu.vector_store_idx %arg13[%get3A_445], %get3A_447 masked %ge3A_464 {add = true} : memref<128xf32, #tpu.memory_space<vmem>>[vector<16xi32>], vector<16xf32>, vector<16xi1>
    %get3A_471 = arith.constant 240 : index
    %get3A_472 = tpu.vector_load %arg9[%get3A_471] {strides = array<i32>} : memref<640xi32, #tpu.memory_space<vmem>>, vector<16xi32>,
    %get3A_473 = arith.constant 240 : index
    %get3A_474 = tpu.vector_load %arg8[%get3A_473] {strides = array<i32>} : memref<640xf32, #tpu.memory_space<vmem>>, vector<16xf32>,
    %get3A_475 = arith.constant 240 : index
    %get3A_476 = tpu.vector_load %arg7[%get3A_475] {strides = array<i32>} : memref<640xi32, #tpu.memory_space<vmem>>, vector<16xi32>,
    %jit3A_477 = arith.constant 0 : i32
    %jit3A_478 = arith.constant 80 : i32
    %max3A_479 = vector.broadcast %jit3A_477 : i32 to vector<16xi32>
    %max3A_480 = arith.maxsi %max3A_479, %get3A_476 : vector<16xi32>
    %min3A_481 = vector.broadcast %jit3A_478 : i32 to vector<16xi32>
    %min3A_482 = arith.minsi %min3A_481, %max3A_480 : vector<16xi32>
    %iota3A_483 = tpu.iota {dimensions = array<i32: 0>} : vector<16xi32>
    %add3A_484 = arith.constant 240 : i32
    %add3A_485 = vector.broadcast %add3A_484 : i32 to vector<16xi32>
    %add3A_486 = arith.addi %iota3A_483, %add3A_485 : vector<16xi32>
    %gather3A_487 = tpu.vector_load_idx %arg10[%add3A_486, %min3A_482] : memref<640x81xf32, #tpu.memory_space<vmem>>[vector<16xi32>, vector<16xi32>], vector<16xf32>,
    %add3A_488 = vector.broadcast %min3A_3 : i32 to vector<16xi32>
    %add3A_489 = arith.addi %add3A_486, %add3A_488 : vector<16xi32>
    %ge3A_490 = vector.broadcast %mul3A_2 : i32 to vector<16xi32>
    %ge3A_491 = arith.cmpi sge, %add3A_489, %ge3A_490 : vector<16xi32>
    %max3A_492 = arith.constant 9.99999971E-10 : f32
    %max3A_493 = vector.broadcast %max3A_492 : f32 to vector<16xf32>
    %max3A_494 = arith.maximumf %gather3A_487, %max3A_493 : vector<16xf32>
    %min3A_495 = arith.constant 1.000000e+04 : f32
    %min3A_496 = vector.broadcast %min3A_495 : f32 to vector<16xf32>
    %min3A_497 = arith.minimumf %max3A_494, %min3A_496 : vector<16xf32>
    tpu.vector_store_idx %arg11[%get3A_472], %min3A_497 masked %ge3A_491 {add = true} : memref<128xf32, #tpu.memory_space<vmem>>[vector<16xi32>], vector<16xf32>, vector<16xi1>
    tpu.vector_store_idx %arg12[%get3A_472], %broadcast_in_dim3A_24 masked %ge3A_491 {add = true} : memref<128xf32, #tpu.memory_space<vmem>>[vector<16xi32>], vector<16xf32>, vector<16xi1>
    tpu.vector_store_idx %arg13[%get3A_472], %get3A_474 masked %ge3A_491 {add = true} : memref<128xf32, #tpu.memory_space<vmem>>[vector<16xi32>], vector<16xf32>, vector<16xi1>
    %get3A_498 = arith.constant 256 : index
    %get3A_499 = tpu.vector_load %arg9[%get3A_498] {strides = array<i32>} : memref<640xi32, #tpu.memory_space<vmem>>, vector<16xi32>,
    %get3A_500 = arith.constant 256 : index
    %get3A_501 = tpu.vector_load %arg8[%get3A_500] {strides = array<i32>} : memref<640xf32, #tpu.memory_space<vmem>>, vector<16xf32>,
    %get3A_502 = arith.constant 256 : index
    %get3A_503 = tpu.vector_load %arg7[%get3A_502] {strides = array<i32>} : memref<640xi32, #tpu.memory_space<vmem>>, vector<16xi32>,
    %jit3A_504 = arith.constant 0 : i32
    %jit3A_505 = arith.constant 80 : i32
    %max3A_506 = vector.broadcast %jit3A_504 : i32 to vector<16xi32>
    %max3A_507 = arith.maxsi %max3A_506, %get3A_503 : vector<16xi32>
    %min3A_508 = vector.broadcast %jit3A_505 : i32 to vector<16xi32>
    %min3A_509 = arith.minsi %min3A_508, %max3A_507 : vector<16xi32>
    %iota3A_510 = tpu.iota {dimensions = array<i32: 0>} : vector<16xi32>
    %add3A_511 = arith.constant 256 : i32
    %add3A_512 = vector.broadcast %add3A_511 : i32 to vector<16xi32>
    %add3A_513 = arith.addi %iota3A_510, %add3A_512 : vector<16xi32>
    %gather3A_514 = tpu.vector_load_idx %arg10[%add3A_513, %min3A_509] : memref<640x81xf32, #tpu.memory_space<vmem>>[vector<16xi32>, vector<16xi32>], vector<16xf32>,
    %add3A_515 = vector.broadcast %min3A_3 : i32 to vector<16xi32>
    %add3A_516 = arith.addi %add3A_513, %add3A_515 : vector<16xi32>
    %ge3A_517 = vector.broadcast %mul3A_2 : i32 to vector<16xi32>
    %ge3A_518 = arith.cmpi sge, %add3A_516, %ge3A_517 : vector<16xi32>
    %max3A_519 = arith.constant 9.99999971E-10 : f32
    %max3A_520 = vector.broadcast %max3A_519 : f32 to vector<16xf32>
    %max3A_521 = arith.maximumf %gather3A_514, %max3A_520 : vector<16xf32>
    %min3A_522 = arith.constant 1.000000e+04 : f32
    %min3A_523 = vector.broadcast %min3A_522 : f32 to vector<16xf32>
    %min3A_524 = arith.minimumf %max3A_521, %min3A_523 : vector<16xf32>
    tpu.vector_store_idx %arg11[%get3A_499], %min3A_524 masked %ge3A_518 {add = true} : memref<128xf32, #tpu.memory_space<vmem>>[vector<16xi32>], vector<16xf32>, vector<16xi1>
    tpu.vector_store_idx %arg12[%get3A_499], %broadcast_in_dim3A_24 masked %ge3A_518 {add = true} : memref<128xf32, #tpu.memory_space<vmem>>[vector<16xi32>], vector<16xf32>, vector<16xi1>
    tpu.vector_store_idx %arg13[%get3A_499], %get3A_501 masked %ge3A_518 {add = true} : memref<128xf32, #tpu.memory_space<vmem>>[vector<16xi32>], vector<16xf32>, vector<16xi1>
    %get3A_525 = arith.constant 272 : index
    %get3A_526 = tpu.vector_load %arg9[%get3A_525] {strides = array<i32>} : memref<640xi32, #tpu.memory_space<vmem>>, vector<16xi32>,
    %get3A_527 = arith.constant 272 : index
    %get3A_528 = tpu.vector_load %arg8[%get3A_527] {strides = array<i32>} : memref<640xf32, #tpu.memory_space<vmem>>, vector<16xf32>,
    %get3A_529 = arith.constant 272 : index
    %get3A_530 = tpu.vector_load %arg7[%get3A_529] {strides = array<i32>} : memref<640xi32, #tpu.memory_space<vmem>>, vector<16xi32>,
    %jit3A_531 = arith.constant 0 : i32
    %jit3A_532 = arith.constant 80 : i32
    %max3A_533 = vector.broadcast %jit3A_531 : i32 to vector<16xi32>
    %max3A_534 = arith.maxsi %max3A_533, %get3A_530 : vector<16xi32>
    %min3A_535 = vector.broadcast %jit3A_532 : i32 to vector<16xi32>
    %min3A_536 = arith.minsi %min3A_535, %max3A_534 : vector<16xi32>
    %iota3A_537 = tpu.iota {dimensions = array<i32: 0>} : vector<16xi32>
    %add3A_538 = arith.constant 272 : i32
    %add3A_539 = vector.broadcast %add3A_538 : i32 to vector<16xi32>
    %add3A_540 = arith.addi %iota3A_537, %add3A_539 : vector<16xi32>
    %gather3A_541 = tpu.vector_load_idx %arg10[%add3A_540, %min3A_536] : memref<640x81xf32, #tpu.memory_space<vmem>>[vector<16xi32>, vector<16xi32>], vector<16xf32>,
    %add3A_542 = vector.broadcast %min3A_3 : i32 to vector<16xi32>
    %add3A_543 = arith.addi %add3A_540, %add3A_542 : vector<16xi32>
    %ge3A_544 = vector.broadcast %mul3A_2 : i32 to vector<16xi32>
    %ge3A_545 = arith.cmpi sge, %add3A_543, %ge3A_544 : vector<16xi32>
    %max3A_546 = arith.constant 9.99999971E-10 : f32
    %max3A_547 = vector.broadcast %max3A_546 : f32 to vector<16xf32>
    %max3A_548 = arith.maximumf %gather3A_541, %max3A_547 : vector<16xf32>
    %min3A_549 = arith.constant 1.000000e+04 : f32
    %min3A_550 = vector.broadcast %min3A_549 : f32 to vector<16xf32>
    %min3A_551 = arith.minimumf %max3A_548, %min3A_550 : vector<16xf32>
    tpu.vector_store_idx %arg11[%get3A_526], %min3A_551 masked %ge3A_545 {add = true} : memref<128xf32, #tpu.memory_space<vmem>>[vector<16xi32>], vector<16xf32>, vector<16xi1>
    tpu.vector_store_idx %arg12[%get3A_526], %broadcast_in_dim3A_24 masked %ge3A_545 {add = true} : memref<128xf32, #tpu.memory_space<vmem>>[vector<16xi32>], vector<16xf32>, vector<16xi1>
    tpu.vector_store_idx %arg13[%get3A_526], %get3A_528 masked %ge3A_545 {add = true} : memref<128xf32, #tpu.memory_space<vmem>>[vector<16xi32>], vector<16xf32>, vector<16xi1>
    %get3A_552 = arith.constant 288 : index
    %get3A_553 = tpu.vector_load %arg9[%get3A_552] {strides = array<i32>} : memref<640xi32, #tpu.memory_space<vmem>>, vector<16xi32>,
    %get3A_554 = arith.constant 288 : index
    %get3A_555 = tpu.vector_load %arg8[%get3A_554] {strides = array<i32>} : memref<640xf32, #tpu.memory_space<vmem>>, vector<16xf32>,
    %get3A_556 = arith.constant 288 : index
    %get3A_557 = tpu.vector_load %arg7[%get3A_556] {strides = array<i32>} : memref<640xi32, #tpu.memory_space<vmem>>, vector<16xi32>,
    %jit3A_558 = arith.constant 0 : i32
    %jit3A_559 = arith.constant 80 : i32
    %max3A_560 = vector.broadcast %jit3A_558 : i32 to vector<16xi32>
    %max3A_561 = arith.maxsi %max3A_560, %get3A_557 : vector<16xi32>
    %min3A_562 = vector.broadcast %jit3A_559 : i32 to vector<16xi32>
    %min3A_563 = arith.minsi %min3A_562, %max3A_561 : vector<16xi32>
    %iota3A_564 = tpu.iota {dimensions = array<i32: 0>} : vector<16xi32>
    %add3A_565 = arith.constant 288 : i32
    %add3A_566 = vector.broadcast %add3A_565 : i32 to vector<16xi32>
    %add3A_567 = arith.addi %iota3A_564, %add3A_566 : vector<16xi32>
    %gather3A_568 = tpu.vector_load_idx %arg10[%add3A_567, %min3A_563] : memref<640x81xf32, #tpu.memory_space<vmem>>[vector<16xi32>, vector<16xi32>], vector<16xf32>,
    %add3A_569 = vector.broadcast %min3A_3 : i32 to vector<16xi32>
    %add3A_570 = arith.addi %add3A_567, %add3A_569 : vector<16xi32>
    %ge3A_571 = vector.broadcast %mul3A_2 : i32 to vector<16xi32>
    %ge3A_572 = arith.cmpi sge, %add3A_570, %ge3A_571 : vector<16xi32>
    %max3A_573 = arith.constant 9.99999971E-10 : f32
    %max3A_574 = vector.broadcast %max3A_573 : f32 to vector<16xf32>
    %max3A_575 = arith.maximumf %gather3A_568, %max3A_574 : vector<16xf32>
    %min3A_576 = arith.constant 1.000000e+04 : f32
    %min3A_577 = vector.broadcast %min3A_576 : f32 to vector<16xf32>
    %min3A_578 = arith.minimumf %max3A_575, %min3A_577 : vector<16xf32>
    tpu.vector_store_idx %arg11[%get3A_553], %min3A_578 masked %ge3A_572 {add = true} : memref<128xf32, #tpu.memory_space<vmem>>[vector<16xi32>], vector<16xf32>, vector<16xi1>
    tpu.vector_store_idx %arg12[%get3A_553], %broadcast_in_dim3A_24 masked %ge3A_572 {add = true} : memref<128xf32, #tpu.memory_space<vmem>>[vector<16xi32>], vector<16xf32>, vector<16xi1>
    tpu.vector_store_idx %arg13[%get3A_553], %get3A_555 masked %ge3A_572 {add = true} : memref<128xf32, #tpu.memory_space<vmem>>[vector<16xi32>], vector<16xf32>, vector<16xi1>
    %get3A_579 = arith.constant 304 : index
    %get3A_580 = tpu.vector_load %arg9[%get3A_579] {strides = array<i32>} : memref<640xi32, #tpu.memory_space<vmem>>, vector<16xi32>,
    %get3A_581 = arith.constant 304 : index
    %get3A_582 = tpu.vector_load %arg8[%get3A_581] {strides = array<i32>} : memref<640xf32, #tpu.memory_space<vmem>>, vector<16xf32>,
    %get3A_583 = arith.constant 304 : index
    %get3A_584 = tpu.vector_load %arg7[%get3A_583] {strides = array<i32>} : memref<640xi32, #tpu.memory_space<vmem>>, vector<16xi32>,
    %jit3A_585 = arith.constant 0 : i32
    %jit3A_586 = arith.constant 80 : i32
    %max3A_587 = vector.broadcast %jit3A_585 : i32 to vector<16xi32>
    %max3A_588 = arith.maxsi %max3A_587, %get3A_584 : vector<16xi32>
    %min3A_589 = vector.broadcast %jit3A_586 : i32 to vector<16xi32>
    %min3A_590 = arith.minsi %min3A_589, %max3A_588 : vector<16xi32>
    %iota3A_591 = tpu.iota {dimensions = array<i32: 0>} : vector<16xi32>
    %add3A_592 = arith.constant 304 : i32
    %add3A_593 = vector.broadcast %add3A_592 : i32 to vector<16xi32>
    %add3A_594 = arith.addi %iota3A_591, %add3A_593 : vector<16xi32>
    %gather3A_595 = tpu.vector_load_idx %arg10[%add3A_594, %min3A_590] : memref<640x81xf32, #tpu.memory_space<vmem>>[vector<16xi32>, vector<16xi32>], vector<16xf32>,
    %add3A_596 = vector.broadcast %min3A_3 : i32 to vector<16xi32>
    %add3A_597 = arith.addi %add3A_594, %add3A_596 : vector<16xi32>
    %ge3A_598 = vector.broadcast %mul3A_2 : i32 to vector<16xi32>
    %ge3A_599 = arith.cmpi sge, %add3A_597, %ge3A_598 : vector<16xi32>
    %max3A_600 = arith.constant 9.99999971E-10 : f32
    %max3A_601 = vector.broadcast %max3A_600 : f32 to vector<16xf32>
    %max3A_602 = arith.maximumf %gather3A_595, %max3A_601 : vector<16xf32>
    %min3A_603 = arith.constant 1.000000e+04 : f32
    %min3A_604 = vector.broadcast %min3A_603 : f32 to vector<16xf32>
    %min3A_605 = arith.minimumf %max3A_602, %min3A_604 : vector<16xf32>
    tpu.vector_store_idx %arg11[%get3A_580], %min3A_605 masked %ge3A_599 {add = true} : memref<128xf32, #tpu.memory_space<vmem>>[vector<16xi32>], vector<16xf32>, vector<16xi1>
    tpu.vector_store_idx %arg12[%get3A_580], %broadcast_in_dim3A_24 masked %ge3A_599 {add = true} : memref<128xf32, #tpu.memory_space<vmem>>[vector<16xi32>], vector<16xf32>, vector<16xi1>
    tpu.vector_store_idx %arg13[%get3A_580], %get3A_582 masked %ge3A_599 {add = true} : memref<128xf32, #tpu.memory_space<vmem>>[vector<16xi32>], vector<16xf32>, vector<16xi1>
    %get3A_606 = arith.constant 320 : index
    %get3A_607 = tpu.vector_load %arg9[%get3A_606] {strides = array<i32>} : memref<640xi32, #tpu.memory_space<vmem>>, vector<16xi32>,
    %get3A_608 = arith.constant 320 : index
    %get3A_609 = tpu.vector_load %arg8[%get3A_608] {strides = array<i32>} : memref<640xf32, #tpu.memory_space<vmem>>, vector<16xf32>,
    %get3A_610 = arith.constant 320 : index
    %get3A_611 = tpu.vector_load %arg7[%get3A_610] {strides = array<i32>} : memref<640xi32, #tpu.memory_space<vmem>>, vector<16xi32>,
    %jit3A_612 = arith.constant 0 : i32
    %jit3A_613 = arith.constant 80 : i32
    %max3A_614 = vector.broadcast %jit3A_612 : i32 to vector<16xi32>
    %max3A_615 = arith.maxsi %max3A_614, %get3A_611 : vector<16xi32>
    %min3A_616 = vector.broadcast %jit3A_613 : i32 to vector<16xi32>
    %min3A_617 = arith.minsi %min3A_616, %max3A_615 : vector<16xi32>
    %iota3A_618 = tpu.iota {dimensions = array<i32: 0>} : vector<16xi32>
    %add3A_619 = arith.constant 320 : i32
    %add3A_620 = vector.broadcast %add3A_619 : i32 to vector<16xi32>
    %add3A_621 = arith.addi %iota3A_618, %add3A_620 : vector<16xi32>
    %gather3A_622 = tpu.vector_load_idx %arg10[%add3A_621, %min3A_617] : memref<640x81xf32, #tpu.memory_space<vmem>>[vector<16xi32>, vector<16xi32>], vector<16xf32>,
    %add3A_623 = vector.broadcast %min3A_3 : i32 to vector<16xi32>
    %add3A_624 = arith.addi %add3A_621, %add3A_623 : vector<16xi32>
    %ge3A_625 = vector.broadcast %mul3A_2 : i32 to vector<16xi32>
    %ge3A_626 = arith.cmpi sge, %add3A_624, %ge3A_625 : vector<16xi32>
    %max3A_627 = arith.constant 9.99999971E-10 : f32
    %max3A_628 = vector.broadcast %max3A_627 : f32 to vector<16xf32>
    %max3A_629 = arith.maximumf %gather3A_622, %max3A_628 : vector<16xf32>
    %min3A_630 = arith.constant 1.000000e+04 : f32
    %min3A_631 = vector.broadcast %min3A_630 : f32 to vector<16xf32>
    %min3A_632 = arith.minimumf %max3A_629, %min3A_631 : vector<16xf32>
    tpu.vector_store_idx %arg11[%get3A_607], %min3A_632 masked %ge3A_626 {add = true} : memref<128xf32, #tpu.memory_space<vmem>>[vector<16xi32>], vector<16xf32>, vector<16xi1>
    tpu.vector_store_idx %arg12[%get3A_607], %broadcast_in_dim3A_24 masked %ge3A_626 {add = true} : memref<128xf32, #tpu.memory_space<vmem>>[vector<16xi32>], vector<16xf32>, vector<16xi1>
    tpu.vector_store_idx %arg13[%get3A_607], %get3A_609 masked %ge3A_626 {add = true} : memref<128xf32, #tpu.memory_space<vmem>>[vector<16xi32>], vector<16xf32>, vector<16xi1>
    %get3A_633 = arith.constant 336 : index
    %get3A_634 = tpu.vector_load %arg9[%get3A_633] {strides = array<i32>} : memref<640xi32, #tpu.memory_space<vmem>>, vector<16xi32>,
    %get3A_635 = arith.constant 336 : index
    %get3A_636 = tpu.vector_load %arg8[%get3A_635] {strides = array<i32>} : memref<640xf32, #tpu.memory_space<vmem>>, vector<16xf32>,
    %get3A_637 = arith.constant 336 : index
    %get3A_638 = tpu.vector_load %arg7[%get3A_637] {strides = array<i32>} : memref<640xi32, #tpu.memory_space<vmem>>, vector<16xi32>,
    %jit3A_639 = arith.constant 0 : i32
    %jit3A_640 = arith.constant 80 : i32
    %max3A_641 = vector.broadcast %jit3A_639 : i32 to vector<16xi32>
    %max3A_642 = arith.maxsi %max3A_641, %get3A_638 : vector<16xi32>
    %min3A_643 = vector.broadcast %jit3A_640 : i32 to vector<16xi32>
    %min3A_644 = arith.minsi %min3A_643, %max3A_642 : vector<16xi32>
    %iota3A_645 = tpu.iota {dimensions = array<i32: 0>} : vector<16xi32>
    %add3A_646 = arith.constant 336 : i32
    %add3A_647 = vector.broadcast %add3A_646 : i32 to vector<16xi32>
    %add3A_648 = arith.addi %iota3A_645, %add3A_647 : vector<16xi32>
    %gather3A_649 = tpu.vector_load_idx %arg10[%add3A_648, %min3A_644] : memref<640x81xf32, #tpu.memory_space<vmem>>[vector<16xi32>, vector<16xi32>], vector<16xf32>,
    %add3A_650 = vector.broadcast %min3A_3 : i32 to vector<16xi32>
    %add3A_651 = arith.addi %add3A_648, %add3A_650 : vector<16xi32>
    %ge3A_652 = vector.broadcast %mul3A_2 : i32 to vector<16xi32>
    %ge3A_653 = arith.cmpi sge, %add3A_651, %ge3A_652 : vector<16xi32>
    %max3A_654 = arith.constant 9.99999971E-10 : f32
    %max3A_655 = vector.broadcast %max3A_654 : f32 to vector<16xf32>
    %max3A_656 = arith.maximumf %gather3A_649, %max3A_655 : vector<16xf32>
    %min3A_657 = arith.constant 1.000000e+04 : f32
    %min3A_658 = vector.broadcast %min3A_657 : f32 to vector<16xf32>
    %min3A_659 = arith.minimumf %max3A_656, %min3A_658 : vector<16xf32>
    tpu.vector_store_idx %arg11[%get3A_634], %min3A_659 masked %ge3A_653 {add = true} : memref<128xf32, #tpu.memory_space<vmem>>[vector<16xi32>], vector<16xf32>, vector<16xi1>
    tpu.vector_store_idx %arg12[%get3A_634], %broadcast_in_dim3A_24 masked %ge3A_653 {add = true} : memref<128xf32, #tpu.memory_space<vmem>>[vector<16xi32>], vector<16xf32>, vector<16xi1>
    tpu.vector_store_idx %arg13[%get3A_634], %get3A_636 masked %ge3A_653 {add = true} : memref<128xf32, #tpu.memory_space<vmem>>[vector<16xi32>], vector<16xf32>, vector<16xi1>
    %get3A_660 = arith.constant 352 : index
    %get3A_661 = tpu.vector_load %arg9[%get3A_660] {strides = array<i32>} : memref<640xi32, #tpu.memory_space<vmem>>, vector<16xi32>,
    %get3A_662 = arith.constant 352 : index
    %get3A_663 = tpu.vector_load %arg8[%get3A_662] {strides = array<i32>} : memref<640xf32, #tpu.memory_space<vmem>>, vector<16xf32>,
    %get3A_664 = arith.constant 352 : index
    %get3A_665 = tpu.vector_load %arg7[%get3A_664] {strides = array<i32>} : memref<640xi32, #tpu.memory_space<vmem>>, vector<16xi32>,
    %jit3A_666 = arith.constant 0 : i32
    %jit3A_667 = arith.constant 80 : i32
    %max3A_668 = vector.broadcast %jit3A_666 : i32 to vector<16xi32>
    %max3A_669 = arith.maxsi %max3A_668, %get3A_665 : vector<16xi32>
    %min3A_670 = vector.broadcast %jit3A_667 : i32 to vector<16xi32>
    %min3A_671 = arith.minsi %min3A_670, %max3A_669 : vector<16xi32>
    %iota3A_672 = tpu.iota {dimensions = array<i32: 0>} : vector<16xi32>
    %add3A_673 = arith.constant 352 : i32
    %add3A_674 = vector.broadcast %add3A_673 : i32 to vector<16xi32>
    %add3A_675 = arith.addi %iota3A_672, %add3A_674 : vector<16xi32>
    %gather3A_676 = tpu.vector_load_idx %arg10[%add3A_675, %min3A_671] : memref<640x81xf32, #tpu.memory_space<vmem>>[vector<16xi32>, vector<16xi32>], vector<16xf32>,
    %add3A_677 = vector.broadcast %min3A_3 : i32 to vector<16xi32>
    %add3A_678 = arith.addi %add3A_675, %add3A_677 : vector<16xi32>
    %ge3A_679 = vector.broadcast %mul3A_2 : i32 to vector<16xi32>
    %ge3A_680 = arith.cmpi sge, %add3A_678, %ge3A_679 : vector<16xi32>
    %max3A_681 = arith.constant 9.99999971E-10 : f32
    %max3A_682 = vector.broadcast %max3A_681 : f32 to vector<16xf32>
    %max3A_683 = arith.maximumf %gather3A_676, %max3A_682 : vector<16xf32>
    %min3A_684 = arith.constant 1.000000e+04 : f32
    %min3A_685 = vector.broadcast %min3A_684 : f32 to vector<16xf32>
    %min3A_686 = arith.minimumf %max3A_683, %min3A_685 : vector<16xf32>
    tpu.vector_store_idx %arg11[%get3A_661], %min3A_686 masked %ge3A_680 {add = true} : memref<128xf32, #tpu.memory_space<vmem>>[vector<16xi32>], vector<16xf32>, vector<16xi1>
    tpu.vector_store_idx %arg12[%get3A_661], %broadcast_in_dim3A_24 masked %ge3A_680 {add = true} : memref<128xf32, #tpu.memory_space<vmem>>[vector<16xi32>], vector<16xf32>, vector<16xi1>
    tpu.vector_store_idx %arg13[%get3A_661], %get3A_663 masked %ge3A_680 {add = true} : memref<128xf32, #tpu.memory_space<vmem>>[vector<16xi32>], vector<16xf32>, vector<16xi1>
    %get3A_687 = arith.constant 368 : index
    %get3A_688 = tpu.vector_load %arg9[%get3A_687] {strides = array<i32>} : memref<640xi32, #tpu.memory_space<vmem>>, vector<16xi32>,
    %get3A_689 = arith.constant 368 : index
    %get3A_690 = tpu.vector_load %arg8[%get3A_689] {strides = array<i32>} : memref<640xf32, #tpu.memory_space<vmem>>, vector<16xf32>,
    %get3A_691 = arith.constant 368 : index
    %get3A_692 = tpu.vector_load %arg7[%get3A_691] {strides = array<i32>} : memref<640xi32, #tpu.memory_space<vmem>>, vector<16xi32>,
    %jit3A_693 = arith.constant 0 : i32
    %jit3A_694 = arith.constant 80 : i32
    %max3A_695 = vector.broadcast %jit3A_693 : i32 to vector<16xi32>
    %max3A_696 = arith.maxsi %max3A_695, %get3A_692 : vector<16xi32>
    %min3A_697 = vector.broadcast %jit3A_694 : i32 to vector<16xi32>
    %min3A_698 = arith.minsi %min3A_697, %max3A_696 : vector<16xi32>
    %iota3A_699 = tpu.iota {dimensions = array<i32: 0>} : vector<16xi32>
    %add3A_700 = arith.constant 368 : i32
    %add3A_701 = vector.broadcast %add3A_700 : i32 to vector<16xi32>
    %add3A_702 = arith.addi %iota3A_699, %add3A_701 : vector<16xi32>
    %gather3A_703 = tpu.vector_load_idx %arg10[%add3A_702, %min3A_698] : memref<640x81xf32, #tpu.memory_space<vmem>>[vector<16xi32>, vector<16xi32>], vector<16xf32>,
    %add3A_704 = vector.broadcast %min3A_3 : i32 to vector<16xi32>
    %add3A_705 = arith.addi %add3A_702, %add3A_704 : vector<16xi32>
    %ge3A_706 = vector.broadcast %mul3A_2 : i32 to vector<16xi32>
    %ge3A_707 = arith.cmpi sge, %add3A_705, %ge3A_706 : vector<16xi32>
    %max3A_708 = arith.constant 9.99999971E-10 : f32
    %max3A_709 = vector.broadcast %max3A_708 : f32 to vector<16xf32>
    %max3A_710 = arith.maximumf %gather3A_703, %max3A_709 : vector<16xf32>
    %min3A_711 = arith.constant 1.000000e+04 : f32
    %min3A_712 = vector.broadcast %min3A_711 : f32 to vector<16xf32>
    %min3A_713 = arith.minimumf %max3A_710, %min3A_712 : vector<16xf32>
    tpu.vector_store_idx %arg11[%get3A_688], %min3A_713 masked %ge3A_707 {add = true} : memref<128xf32, #tpu.memory_space<vmem>>[vector<16xi32>], vector<16xf32>, vector<16xi1>
    tpu.vector_store_idx %arg12[%get3A_688], %broadcast_in_dim3A_24 masked %ge3A_707 {add = true} : memref<128xf32, #tpu.memory_space<vmem>>[vector<16xi32>], vector<16xf32>, vector<16xi1>
    tpu.vector_store_idx %arg13[%get3A_688], %get3A_690 masked %ge3A_707 {add = true} : memref<128xf32, #tpu.memory_space<vmem>>[vector<16xi32>], vector<16xf32>, vector<16xi1>
    %get3A_714 = arith.constant 384 : index
    %get3A_715 = tpu.vector_load %arg9[%get3A_714] {strides = array<i32>} : memref<640xi32, #tpu.memory_space<vmem>>, vector<16xi32>,
    %get3A_716 = arith.constant 384 : index
    %get3A_717 = tpu.vector_load %arg8[%get3A_716] {strides = array<i32>} : memref<640xf32, #tpu.memory_space<vmem>>, vector<16xf32>,
    %get3A_718 = arith.constant 384 : index
    %get3A_719 = tpu.vector_load %arg7[%get3A_718] {strides = array<i32>} : memref<640xi32, #tpu.memory_space<vmem>>, vector<16xi32>,
    %jit3A_720 = arith.constant 0 : i32
    %jit3A_721 = arith.constant 80 : i32
    %max3A_722 = vector.broadcast %jit3A_720 : i32 to vector<16xi32>
    %max3A_723 = arith.maxsi %max3A_722, %get3A_719 : vector<16xi32>
    %min3A_724 = vector.broadcast %jit3A_721 : i32 to vector<16xi32>
    %min3A_725 = arith.minsi %min3A_724, %max3A_723 : vector<16xi32>
    %iota3A_726 = tpu.iota {dimensions = array<i32: 0>} : vector<16xi32>
    %add3A_727 = arith.constant 384 : i32
    %add3A_728 = vector.broadcast %add3A_727 : i32 to vector<16xi32>
    %add3A_729 = arith.addi %iota3A_726, %add3A_728 : vector<16xi32>
    %gather3A_730 = tpu.vector_load_idx %arg10[%add3A_729, %min3A_725] : memref<640x81xf32, #tpu.memory_space<vmem>>[vector<16xi32>, vector<16xi32>], vector<16xf32>,
    %add3A_731 = vector.broadcast %min3A_3 : i32 to vector<16xi32>
    %add3A_732 = arith.addi %add3A_729, %add3A_731 : vector<16xi32>
    %ge3A_733 = vector.broadcast %mul3A_2 : i32 to vector<16xi32>
    %ge3A_734 = arith.cmpi sge, %add3A_732, %ge3A_733 : vector<16xi32>
    %max3A_735 = arith.constant 9.99999971E-10 : f32
    %max3A_736 = vector.broadcast %max3A_735 : f32 to vector<16xf32>
    %max3A_737 = arith.maximumf %gather3A_730, %max3A_736 : vector<16xf32>
    %min3A_738 = arith.constant 1.000000e+04 : f32
    %min3A_739 = vector.broadcast %min3A_738 : f32 to vector<16xf32>
    %min3A_740 = arith.minimumf %max3A_737, %min3A_739 : vector<16xf32>
    tpu.vector_store_idx %arg11[%get3A_715], %min3A_740 masked %ge3A_734 {add = true} : memref<128xf32, #tpu.memory_space<vmem>>[vector<16xi32>], vector<16xf32>, vector<16xi1>
    tpu.vector_store_idx %arg12[%get3A_715], %broadcast_in_dim3A_24 masked %ge3A_734 {add = true} : memref<128xf32, #tpu.memory_space<vmem>>[vector<16xi32>], vector<16xf32>, vector<16xi1>
    tpu.vector_store_idx %arg13[%get3A_715], %get3A_717 masked %ge3A_734 {add = true} : memref<128xf32, #tpu.memory_space<vmem>>[vector<16xi32>], vector<16xf32>, vector<16xi1>
    %get3A_741 = arith.constant 400 : index
    %get3A_742 = tpu.vector_load %arg9[%get3A_741] {strides = array<i32>} : memref<640xi32, #tpu.memory_space<vmem>>, vector<16xi32>,
    %get3A_743 = arith.constant 400 : index
    %get3A_744 = tpu.vector_load %arg8[%get3A_743] {strides = array<i32>} : memref<640xf32, #tpu.memory_space<vmem>>, vector<16xf32>,
    %get3A_745 = arith.constant 400 : index
    %get3A_746 = tpu.vector_load %arg7[%get3A_745] {strides = array<i32>} : memref<640xi32, #tpu.memory_space<vmem>>, vector<16xi32>,
    %jit3A_747 = arith.constant 0 : i32
    %jit3A_748 = arith.constant 80 : i32
    %max3A_749 = vector.broadcast %jit3A_747 : i32 to vector<16xi32>
    %max3A_750 = arith.maxsi %max3A_749, %get3A_746 : vector<16xi32>
    %min3A_751 = vector.broadcast %jit3A_748 : i32 to vector<16xi32>
    %min3A_752 = arith.minsi %min3A_751, %max3A_750 : vector<16xi32>
    %iota3A_753 = tpu.iota {dimensions = array<i32: 0>} : vector<16xi32>
    %add3A_754 = arith.constant 400 : i32
    %add3A_755 = vector.broadcast %add3A_754 : i32 to vector<16xi32>
    %add3A_756 = arith.addi %iota3A_753, %add3A_755 : vector<16xi32>
    %gather3A_757 = tpu.vector_load_idx %arg10[%add3A_756, %min3A_752] : memref<640x81xf32, #tpu.memory_space<vmem>>[vector<16xi32>, vector<16xi32>], vector<16xf32>,
    %add3A_758 = vector.broadcast %min3A_3 : i32 to vector<16xi32>
    %add3A_759 = arith.addi %add3A_756, %add3A_758 : vector<16xi32>
    %ge3A_760 = vector.broadcast %mul3A_2 : i32 to vector<16xi32>
    %ge3A_761 = arith.cmpi sge, %add3A_759, %ge3A_760 : vector<16xi32>
    %max3A_762 = arith.constant 9.99999971E-10 : f32
    %max3A_763 = vector.broadcast %max3A_762 : f32 to vector<16xf32>
    %max3A_764 = arith.maximumf %gather3A_757, %max3A_763 : vector<16xf32>
    %min3A_765 = arith.constant 1.000000e+04 : f32
    %min3A_766 = vector.broadcast %min3A_765 : f32 to vector<16xf32>
    %min3A_767 = arith.minimumf %max3A_764, %min3A_766 : vector<16xf32>
    tpu.vector_store_idx %arg11[%get3A_742], %min3A_767 masked %ge3A_761 {add = true} : memref<128xf32, #tpu.memory_space<vmem>>[vector<16xi32>], vector<16xf32>, vector<16xi1>
    tpu.vector_store_idx %arg12[%get3A_742], %broadcast_in_dim3A_24 masked %ge3A_761 {add = true} : memref<128xf32, #tpu.memory_space<vmem>>[vector<16xi32>], vector<16xf32>, vector<16xi1>
    tpu.vector_store_idx %arg13[%get3A_742], %get3A_744 masked %ge3A_761 {add = true} : memref<128xf32, #tpu.memory_space<vmem>>[vector<16xi32>], vector<16xf32>, vector<16xi1>
    %get3A_768 = arith.constant 416 : index
    %get3A_769 = tpu.vector_load %arg9[%get3A_768] {strides = array<i32>} : memref<640xi32, #tpu.memory_space<vmem>>, vector<16xi32>,
    %get3A_770 = arith.constant 416 : index
    %get3A_771 = tpu.vector_load %arg8[%get3A_770] {strides = array<i32>} : memref<640xf32, #tpu.memory_space<vmem>>, vector<16xf32>,
    %get3A_772 = arith.constant 416 : index
    %get3A_773 = tpu.vector_load %arg7[%get3A_772] {strides = array<i32>} : memref<640xi32, #tpu.memory_space<vmem>>, vector<16xi32>,
    %jit3A_774 = arith.constant 0 : i32
    %jit3A_775 = arith.constant 80 : i32
    %max3A_776 = vector.broadcast %jit3A_774 : i32 to vector<16xi32>
    %max3A_777 = arith.maxsi %max3A_776, %get3A_773 : vector<16xi32>
    %min3A_778 = vector.broadcast %jit3A_775 : i32 to vector<16xi32>
    %min3A_779 = arith.minsi %min3A_778, %max3A_777 : vector<16xi32>
    %iota3A_780 = tpu.iota {dimensions = array<i32: 0>} : vector<16xi32>
    %add3A_781 = arith.constant 416 : i32
    %add3A_782 = vector.broadcast %add3A_781 : i32 to vector<16xi32>
    %add3A_783 = arith.addi %iota3A_780, %add3A_782 : vector<16xi32>
    %gather3A_784 = tpu.vector_load_idx %arg10[%add3A_783, %min3A_779] : memref<640x81xf32, #tpu.memory_space<vmem>>[vector<16xi32>, vector<16xi32>], vector<16xf32>,
    %add3A_785 = vector.broadcast %min3A_3 : i32 to vector<16xi32>
    %add3A_786 = arith.addi %add3A_783, %add3A_785 : vector<16xi32>
    %ge3A_787 = vector.broadcast %mul3A_2 : i32 to vector<16xi32>
    %ge3A_788 = arith.cmpi sge, %add3A_786, %ge3A_787 : vector<16xi32>
    %max3A_789 = arith.constant 9.99999971E-10 : f32
    %max3A_790 = vector.broadcast %max3A_789 : f32 to vector<16xf32>
    %max3A_791 = arith.maximumf %gather3A_784, %max3A_790 : vector<16xf32>
    %min3A_792 = arith.constant 1.000000e+04 : f32
    %min3A_793 = vector.broadcast %min3A_792 : f32 to vector<16xf32>
    %min3A_794 = arith.minimumf %max3A_791, %min3A_793 : vector<16xf32>
    tpu.vector_store_idx %arg11[%get3A_769], %min3A_794 masked %ge3A_788 {add = true} : memref<128xf32, #tpu.memory_space<vmem>>[vector<16xi32>], vector<16xf32>, vector<16xi1>
    tpu.vector_store_idx %arg12[%get3A_769], %broadcast_in_dim3A_24 masked %ge3A_788 {add = true} : memref<128xf32, #tpu.memory_space<vmem>>[vector<16xi32>], vector<16xf32>, vector<16xi1>
    tpu.vector_store_idx %arg13[%get3A_769], %get3A_771 masked %ge3A_788 {add = true} : memref<128xf32, #tpu.memory_space<vmem>>[vector<16xi32>], vector<16xf32>, vector<16xi1>
    %get3A_795 = arith.constant 432 : index
    %get3A_796 = tpu.vector_load %arg9[%get3A_795] {strides = array<i32>} : memref<640xi32, #tpu.memory_space<vmem>>, vector<16xi32>,
    %get3A_797 = arith.constant 432 : index
    %get3A_798 = tpu.vector_load %arg8[%get3A_797] {strides = array<i32>} : memref<640xf32, #tpu.memory_space<vmem>>, vector<16xf32>,
    %get3A_799 = arith.constant 432 : index
    %get3A_800 = tpu.vector_load %arg7[%get3A_799] {strides = array<i32>} : memref<640xi32, #tpu.memory_space<vmem>>, vector<16xi32>,
    %jit3A_801 = arith.constant 0 : i32
    %jit3A_802 = arith.constant 80 : i32
    %max3A_803 = vector.broadcast %jit3A_801 : i32 to vector<16xi32>
    %max3A_804 = arith.maxsi %max3A_803, %get3A_800 : vector<16xi32>
    %min3A_805 = vector.broadcast %jit3A_802 : i32 to vector<16xi32>
    %min3A_806 = arith.minsi %min3A_805, %max3A_804 : vector<16xi32>
    %iota3A_807 = tpu.iota {dimensions = array<i32: 0>} : vector<16xi32>
    %add3A_808 = arith.constant 432 : i32
    %add3A_809 = vector.broadcast %add3A_808 : i32 to vector<16xi32>
    %add3A_810 = arith.addi %iota3A_807, %add3A_809 : vector<16xi32>
    %gather3A_811 = tpu.vector_load_idx %arg10[%add3A_810, %min3A_806] : memref<640x81xf32, #tpu.memory_space<vmem>>[vector<16xi32>, vector<16xi32>], vector<16xf32>,
    %add3A_812 = vector.broadcast %min3A_3 : i32 to vector<16xi32>
    %add3A_813 = arith.addi %add3A_810, %add3A_812 : vector<16xi32>
    %ge3A_814 = vector.broadcast %mul3A_2 : i32 to vector<16xi32>
    %ge3A_815 = arith.cmpi sge, %add3A_813, %ge3A_814 : vector<16xi32>
    %max3A_816 = arith.constant 9.99999971E-10 : f32
    %max3A_817 = vector.broadcast %max3A_816 : f32 to vector<16xf32>
    %max3A_818 = arith.maximumf %gather3A_811, %max3A_817 : vector<16xf32>
    %min3A_819 = arith.constant 1.000000e+04 : f32
    %min3A_820 = vector.broadcast %min3A_819 : f32 to vector<16xf32>
    %min3A_821 = arith.minimumf %max3A_818, %min3A_820 : vector<16xf32>
    tpu.vector_store_idx %arg11[%get3A_796], %min3A_821 masked %ge3A_815 {add = true} : memref<128xf32, #tpu.memory_space<vmem>>[vector<16xi32>], vector<16xf32>, vector<16xi1>
    tpu.vector_store_idx %arg12[%get3A_796], %broadcast_in_dim3A_24 masked %ge3A_815 {add = true} : memref<128xf32, #tpu.memory_space<vmem>>[vector<16xi32>], vector<16xf32>, vector<16xi1>
    tpu.vector_store_idx %arg13[%get3A_796], %get3A_798 masked %ge3A_815 {add = true} : memref<128xf32, #tpu.memory_space<vmem>>[vector<16xi32>], vector<16xf32>, vector<16xi1>
    %get3A_822 = arith.constant 448 : index
    %get3A_823 = tpu.vector_load %arg9[%get3A_822] {strides = array<i32>} : memref<640xi32, #tpu.memory_space<vmem>>, vector<16xi32>,
    %get3A_824 = arith.constant 448 : index
    %get3A_825 = tpu.vector_load %arg8[%get3A_824] {strides = array<i32>} : memref<640xf32, #tpu.memory_space<vmem>>, vector<16xf32>,
    %get3A_826 = arith.constant 448 : index
    %get3A_827 = tpu.vector_load %arg7[%get3A_826] {strides = array<i32>} : memref<640xi32, #tpu.memory_space<vmem>>, vector<16xi32>,
    %jit3A_828 = arith.constant 0 : i32
    %jit3A_829 = arith.constant 80 : i32
    %max3A_830 = vector.broadcast %jit3A_828 : i32 to vector<16xi32>
    %max3A_831 = arith.maxsi %max3A_830, %get3A_827 : vector<16xi32>
    %min3A_832 = vector.broadcast %jit3A_829 : i32 to vector<16xi32>
    %min3A_833 = arith.minsi %min3A_832, %max3A_831 : vector<16xi32>
    %iota3A_834 = tpu.iota {dimensions = array<i32: 0>} : vector<16xi32>
    %add3A_835 = arith.constant 448 : i32
    %add3A_836 = vector.broadcast %add3A_835 : i32 to vector<16xi32>
    %add3A_837 = arith.addi %iota3A_834, %add3A_836 : vector<16xi32>
    %gather3A_838 = tpu.vector_load_idx %arg10[%add3A_837, %min3A_833] : memref<640x81xf32, #tpu.memory_space<vmem>>[vector<16xi32>, vector<16xi32>], vector<16xf32>,
    %add3A_839 = vector.broadcast %min3A_3 : i32 to vector<16xi32>
    %add3A_840 = arith.addi %add3A_837, %add3A_839 : vector<16xi32>
    %ge3A_841 = vector.broadcast %mul3A_2 : i32 to vector<16xi32>
    %ge3A_842 = arith.cmpi sge, %add3A_840, %ge3A_841 : vector<16xi32>
    %max3A_843 = arith.constant 9.99999971E-10 : f32
    %max3A_844 = vector.broadcast %max3A_843 : f32 to vector<16xf32>
    %max3A_845 = arith.maximumf %gather3A_838, %max3A_844 : vector<16xf32>
    %min3A_846 = arith.constant 1.000000e+04 : f32
    %min3A_847 = vector.broadcast %min3A_846 : f32 to vector<16xf32>
    %min3A_848 = arith.minimumf %max3A_845, %min3A_847 : vector<16xf32>
    tpu.vector_store_idx %arg11[%get3A_823], %min3A_848 masked %ge3A_842 {add = true} : memref<128xf32, #tpu.memory_space<vmem>>[vector<16xi32>], vector<16xf32>, vector<16xi1>
    tpu.vector_store_idx %arg12[%get3A_823], %broadcast_in_dim3A_24 masked %ge3A_842 {add = true} : memref<128xf32, #tpu.memory_space<vmem>>[vector<16xi32>], vector<16xf32>, vector<16xi1>
    tpu.vector_store_idx %arg13[%get3A_823], %get3A_825 masked %ge3A_842 {add = true} : memref<128xf32, #tpu.memory_space<vmem>>[vector<16xi32>], vector<16xf32>, vector<16xi1>
    %get3A_849 = arith.constant 464 : index
    %get3A_850 = tpu.vector_load %arg9[%get3A_849] {strides = array<i32>} : memref<640xi32, #tpu.memory_space<vmem>>, vector<16xi32>,
    %get3A_851 = arith.constant 464 : index
    %get3A_852 = tpu.vector_load %arg8[%get3A_851] {strides = array<i32>} : memref<640xf32, #tpu.memory_space<vmem>>, vector<16xf32>,
    %get3A_853 = arith.constant 464 : index
    %get3A_854 = tpu.vector_load %arg7[%get3A_853] {strides = array<i32>} : memref<640xi32, #tpu.memory_space<vmem>>, vector<16xi32>,
    %jit3A_855 = arith.constant 0 : i32
    %jit3A_856 = arith.constant 80 : i32
    %max3A_857 = vector.broadcast %jit3A_855 : i32 to vector<16xi32>
    %max3A_858 = arith.maxsi %max3A_857, %get3A_854 : vector<16xi32>
    %min3A_859 = vector.broadcast %jit3A_856 : i32 to vector<16xi32>
    %min3A_860 = arith.minsi %min3A_859, %max3A_858 : vector<16xi32>
    %iota3A_861 = tpu.iota {dimensions = array<i32: 0>} : vector<16xi32>
    %add3A_862 = arith.constant 464 : i32
    %add3A_863 = vector.broadcast %add3A_862 : i32 to vector<16xi32>
    %add3A_864 = arith.addi %iota3A_861, %add3A_863 : vector<16xi32>
    %gather3A_865 = tpu.vector_load_idx %arg10[%add3A_864, %min3A_860] : memref<640x81xf32, #tpu.memory_space<vmem>>[vector<16xi32>, vector<16xi32>], vector<16xf32>,
    %add3A_866 = vector.broadcast %min3A_3 : i32 to vector<16xi32>
    %add3A_867 = arith.addi %add3A_864, %add3A_866 : vector<16xi32>
    %ge3A_868 = vector.broadcast %mul3A_2 : i32 to vector<16xi32>
    %ge3A_869 = arith.cmpi sge, %add3A_867, %ge3A_868 : vector<16xi32>
    %max3A_870 = arith.constant 9.99999971E-10 : f32
    %max3A_871 = vector.broadcast %max3A_870 : f32 to vector<16xf32>
    %max3A_872 = arith.maximumf %gather3A_865, %max3A_871 : vector<16xf32>
    %min3A_873 = arith.constant 1.000000e+04 : f32
    %min3A_874 = vector.broadcast %min3A_873 : f32 to vector<16xf32>
    %min3A_875 = arith.minimumf %max3A_872, %min3A_874 : vector<16xf32>
    tpu.vector_store_idx %arg11[%get3A_850], %min3A_875 masked %ge3A_869 {add = true} : memref<128xf32, #tpu.memory_space<vmem>>[vector<16xi32>], vector<16xf32>, vector<16xi1>
    tpu.vector_store_idx %arg12[%get3A_850], %broadcast_in_dim3A_24 masked %ge3A_869 {add = true} : memref<128xf32, #tpu.memory_space<vmem>>[vector<16xi32>], vector<16xf32>, vector<16xi1>
    tpu.vector_store_idx %arg13[%get3A_850], %get3A_852 masked %ge3A_869 {add = true} : memref<128xf32, #tpu.memory_space<vmem>>[vector<16xi32>], vector<16xf32>, vector<16xi1>
    %get3A_876 = arith.constant 480 : index
    %get3A_877 = tpu.vector_load %arg9[%get3A_876] {strides = array<i32>} : memref<640xi32, #tpu.memory_space<vmem>>, vector<16xi32>,
    %get3A_878 = arith.constant 480 : index
    %get3A_879 = tpu.vector_load %arg8[%get3A_878] {strides = array<i32>} : memref<640xf32, #tpu.memory_space<vmem>>, vector<16xf32>,
    %get3A_880 = arith.constant 480 : index
    %get3A_881 = tpu.vector_load %arg7[%get3A_880] {strides = array<i32>} : memref<640xi32, #tpu.memory_space<vmem>>, vector<16xi32>,
    %jit3A_882 = arith.constant 0 : i32
    %jit3A_883 = arith.constant 80 : i32
    %max3A_884 = vector.broadcast %jit3A_882 : i32 to vector<16xi32>
    %max3A_885 = arith.maxsi %max3A_884, %get3A_881 : vector<16xi32>
    %min3A_886 = vector.broadcast %jit3A_883 : i32 to vector<16xi32>
    %min3A_887 = arith.minsi %min3A_886, %max3A_885 : vector<16xi32>
    %iota3A_888 = tpu.iota {dimensions = array<i32: 0>} : vector<16xi32>
    %add3A_889 = arith.constant 480 : i32
    %add3A_890 = vector.broadcast %add3A_889 : i32 to vector<16xi32>
    %add3A_891 = arith.addi %iota3A_888, %add3A_890 : vector<16xi32>
    %gather3A_892 = tpu.vector_load_idx %arg10[%add3A_891, %min3A_887] : memref<640x81xf32, #tpu.memory_space<vmem>>[vector<16xi32>, vector<16xi32>], vector<16xf32>,
    %add3A_893 = vector.broadcast %min3A_3 : i32 to vector<16xi32>
    %add3A_894 = arith.addi %add3A_891, %add3A_893 : vector<16xi32>
    %ge3A_895 = vector.broadcast %mul3A_2 : i32 to vector<16xi32>
    %ge3A_896 = arith.cmpi sge, %add3A_894, %ge3A_895 : vector<16xi32>
    %max3A_897 = arith.constant 9.99999971E-10 : f32
    %max3A_898 = vector.broadcast %max3A_897 : f32 to vector<16xf32>
    %max3A_899 = arith.maximumf %gather3A_892, %max3A_898 : vector<16xf32>
    %min3A_900 = arith.constant 1.000000e+04 : f32
    %min3A_901 = vector.broadcast %min3A_900 : f32 to vector<16xf32>
    %min3A_902 = arith.minimumf %max3A_899, %min3A_901 : vector<16xf32>
    tpu.vector_store_idx %arg11[%get3A_877], %min3A_902 masked %ge3A_896 {add = true} : memref<128xf32, #tpu.memory_space<vmem>>[vector<16xi32>], vector<16xf32>, vector<16xi1>
    tpu.vector_store_idx %arg12[%get3A_877], %broadcast_in_dim3A_24 masked %ge3A_896 {add = true} : memref<128xf32, #tpu.memory_space<vmem>>[vector<16xi32>], vector<16xf32>, vector<16xi1>
    tpu.vector_store_idx %arg13[%get3A_877], %get3A_879 masked %ge3A_896 {add = true} : memref<128xf32, #tpu.memory_space<vmem>>[vector<16xi32>], vector<16xf32>, vector<16xi1>
    %get3A_903 = arith.constant 496 : index
    %get3A_904 = tpu.vector_load %arg9[%get3A_903] {strides = array<i32>} : memref<640xi32, #tpu.memory_space<vmem>>, vector<16xi32>,
    %get3A_905 = arith.constant 496 : index
    %get3A_906 = tpu.vector_load %arg8[%get3A_905] {strides = array<i32>} : memref<640xf32, #tpu.memory_space<vmem>>, vector<16xf32>,
    %get3A_907 = arith.constant 496 : index
    %get3A_908 = tpu.vector_load %arg7[%get3A_907] {strides = array<i32>} : memref<640xi32, #tpu.memory_space<vmem>>, vector<16xi32>,
    %jit3A_909 = arith.constant 0 : i32
    %jit3A_910 = arith.constant 80 : i32
    %max3A_911 = vector.broadcast %jit3A_909 : i32 to vector<16xi32>
    %max3A_912 = arith.maxsi %max3A_911, %get3A_908 : vector<16xi32>
    %min3A_913 = vector.broadcast %jit3A_910 : i32 to vector<16xi32>
    %min3A_914 = arith.minsi %min3A_913, %max3A_912 : vector<16xi32>
    %iota3A_915 = tpu.iota {dimensions = array<i32: 0>} : vector<16xi32>
    %add3A_916 = arith.constant 496 : i32
    %add3A_917 = vector.broadcast %add3A_916 : i32 to vector<16xi32>
    %add3A_918 = arith.addi %iota3A_915, %add3A_917 : vector<16xi32>
    %gather3A_919 = tpu.vector_load_idx %arg10[%add3A_918, %min3A_914] : memref<640x81xf32, #tpu.memory_space<vmem>>[vector<16xi32>, vector<16xi32>], vector<16xf32>,
    %add3A_920 = vector.broadcast %min3A_3 : i32 to vector<16xi32>
    %add3A_921 = arith.addi %add3A_918, %add3A_920 : vector<16xi32>
    %ge3A_922 = vector.broadcast %mul3A_2 : i32 to vector<16xi32>
    %ge3A_923 = arith.cmpi sge, %add3A_921, %ge3A_922 : vector<16xi32>
    %max3A_924 = arith.constant 9.99999971E-10 : f32
    %max3A_925 = vector.broadcast %max3A_924 : f32 to vector<16xf32>
    %max3A_926 = arith.maximumf %gather3A_919, %max3A_925 : vector<16xf32>
    %min3A_927 = arith.constant 1.000000e+04 : f32
    %min3A_928 = vector.broadcast %min3A_927 : f32 to vector<16xf32>
    %min3A_929 = arith.minimumf %max3A_926, %min3A_928 : vector<16xf32>
    tpu.vector_store_idx %arg11[%get3A_904], %min3A_929 masked %ge3A_923 {add = true} : memref<128xf32, #tpu.memory_space<vmem>>[vector<16xi32>], vector<16xf32>, vector<16xi1>
    tpu.vector_store_idx %arg12[%get3A_904], %broadcast_in_dim3A_24 masked %ge3A_923 {add = true} : memref<128xf32, #tpu.memory_space<vmem>>[vector<16xi32>], vector<16xf32>, vector<16xi1>
    tpu.vector_store_idx %arg13[%get3A_904], %get3A_906 masked %ge3A_923 {add = true} : memref<128xf32, #tpu.memory_space<vmem>>[vector<16xi32>], vector<16xf32>, vector<16xi1>
    %get3A_930 = arith.constant 512 : index
    %get3A_931 = tpu.vector_load %arg9[%get3A_930] {strides = array<i32>} : memref<640xi32, #tpu.memory_space<vmem>>, vector<16xi32>,
    %get3A_932 = arith.constant 512 : index
    %get3A_933 = tpu.vector_load %arg8[%get3A_932] {strides = array<i32>} : memref<640xf32, #tpu.memory_space<vmem>>, vector<16xf32>,
    %get3A_934 = arith.constant 512 : index
    %get3A_935 = tpu.vector_load %arg7[%get3A_934] {strides = array<i32>} : memref<640xi32, #tpu.memory_space<vmem>>, vector<16xi32>,
    %jit3A_936 = arith.constant 0 : i32
    %jit3A_937 = arith.constant 80 : i32
    %max3A_938 = vector.broadcast %jit3A_936 : i32 to vector<16xi32>
    %max3A_939 = arith.maxsi %max3A_938, %get3A_935 : vector<16xi32>
    %min3A_940 = vector.broadcast %jit3A_937 : i32 to vector<16xi32>
    %min3A_941 = arith.minsi %min3A_940, %max3A_939 : vector<16xi32>
    %iota3A_942 = tpu.iota {dimensions = array<i32: 0>} : vector<16xi32>
    %add3A_943 = arith.constant 512 : i32
    %add3A_944 = vector.broadcast %add3A_943 : i32 to vector<16xi32>
    %add3A_945 = arith.addi %iota3A_942, %add3A_944 : vector<16xi32>
    %gather3A_946 = tpu.vector_load_idx %arg10[%add3A_945, %min3A_941] : memref<640x81xf32, #tpu.memory_space<vmem>>[vector<16xi32>, vector<16xi32>], vector<16xf32>,
    %add3A_947 = vector.broadcast %min3A_3 : i32 to vector<16xi32>
    %add3A_948 = arith.addi %add3A_945, %add3A_947 : vector<16xi32>
    %ge3A_949 = vector.broadcast %mul3A_2 : i32 to vector<16xi32>
    %ge3A_950 = arith.cmpi sge, %add3A_948, %ge3A_949 : vector<16xi32>
    %max3A_951 = arith.constant 9.99999971E-10 : f32
    %max3A_952 = vector.broadcast %max3A_951 : f32 to vector<16xf32>
    %max3A_953 = arith.maximumf %gather3A_946, %max3A_952 : vector<16xf32>
    %min3A_954 = arith.constant 1.000000e+04 : f32
    %min3A_955 = vector.broadcast %min3A_954 : f32 to vector<16xf32>
    %min3A_956 = arith.minimumf %max3A_953, %min3A_955 : vector<16xf32>
    tpu.vector_store_idx %arg11[%get3A_931], %min3A_956 masked %ge3A_950 {add = true} : memref<128xf32, #tpu.memory_space<vmem>>[vector<16xi32>], vector<16xf32>, vector<16xi1>
    tpu.vector_store_idx %arg12[%get3A_931], %broadcast_in_dim3A_24 masked %ge3A_950 {add = true} : memref<128xf32, #tpu.memory_space<vmem>>[vector<16xi32>], vector<16xf32>, vector<16xi1>
    tpu.vector_store_idx %arg13[%get3A_931], %get3A_933 masked %ge3A_950 {add = true} : memref<128xf32, #tpu.memory_space<vmem>>[vector<16xi32>], vector<16xf32>, vector<16xi1>
    %get3A_957 = arith.constant 528 : index
    %get3A_958 = tpu.vector_load %arg9[%get3A_957] {strides = array<i32>} : memref<640xi32, #tpu.memory_space<vmem>>, vector<16xi32>,
    %get3A_959 = arith.constant 528 : index
    %get3A_960 = tpu.vector_load %arg8[%get3A_959] {strides = array<i32>} : memref<640xf32, #tpu.memory_space<vmem>>, vector<16xf32>,
    %get3A_961 = arith.constant 528 : index
    %get3A_962 = tpu.vector_load %arg7[%get3A_961] {strides = array<i32>} : memref<640xi32, #tpu.memory_space<vmem>>, vector<16xi32>,
    %jit3A_963 = arith.constant 0 : i32
    %jit3A_964 = arith.constant 80 : i32
    %max3A_965 = vector.broadcast %jit3A_963 : i32 to vector<16xi32>
    %max3A_966 = arith.maxsi %max3A_965, %get3A_962 : vector<16xi32>
    %min3A_967 = vector.broadcast %jit3A_964 : i32 to vector<16xi32>
    %min3A_968 = arith.minsi %min3A_967, %max3A_966 : vector<16xi32>
    %iota3A_969 = tpu.iota {dimensions = array<i32: 0>} : vector<16xi32>
    %add3A_970 = arith.constant 528 : i32
    %add3A_971 = vector.broadcast %add3A_970 : i32 to vector<16xi32>
    %add3A_972 = arith.addi %iota3A_969, %add3A_971 : vector<16xi32>
    %gather3A_973 = tpu.vector_load_idx %arg10[%add3A_972, %min3A_968] : memref<640x81xf32, #tpu.memory_space<vmem>>[vector<16xi32>, vector<16xi32>], vector<16xf32>,
    %add3A_974 = vector.broadcast %min3A_3 : i32 to vector<16xi32>
    %add3A_975 = arith.addi %add3A_972, %add3A_974 : vector<16xi32>
    %ge3A_976 = vector.broadcast %mul3A_2 : i32 to vector<16xi32>
    %ge3A_977 = arith.cmpi sge, %add3A_975, %ge3A_976 : vector<16xi32>
    %max3A_978 = arith.constant 9.99999971E-10 : f32
    %max3A_979 = vector.broadcast %max3A_978 : f32 to vector<16xf32>
    %max3A_980 = arith.maximumf %gather3A_973, %max3A_979 : vector<16xf32>
    %min3A_981 = arith.constant 1.000000e+04 : f32
    %min3A_982 = vector.broadcast %min3A_981 : f32 to vector<16xf32>
    %min3A_983 = arith.minimumf %max3A_980, %min3A_982 : vector<16xf32>
    tpu.vector_store_idx %arg11[%get3A_958], %min3A_983 masked %ge3A_977 {add = true} : memref<128xf32, #tpu.memory_space<vmem>>[vector<16xi32>], vector<16xf32>, vector<16xi1>
    tpu.vector_store_idx %arg12[%get3A_958], %broadcast_in_dim3A_24 masked %ge3A_977 {add = true} : memref<128xf32, #tpu.memory_space<vmem>>[vector<16xi32>], vector<16xf32>, vector<16xi1>
    tpu.vector_store_idx %arg13[%get3A_958], %get3A_960 masked %ge3A_977 {add = true} : memref<128xf32, #tpu.memory_space<vmem>>[vector<16xi32>], vector<16xf32>, vector<16xi1>
    %get3A_984 = arith.constant 544 : index
    %get3A_985 = tpu.vector_load %arg9[%get3A_984] {strides = array<i32>} : memref<640xi32, #tpu.memory_space<vmem>>, vector<16xi32>,
    %get3A_986 = arith.constant 544 : index
    %get3A_987 = tpu.vector_load %arg8[%get3A_986] {strides = array<i32>} : memref<640xf32, #tpu.memory_space<vmem>>, vector<16xf32>,
    %get3A_988 = arith.constant 544 : index
    %get3A_989 = tpu.vector_load %arg7[%get3A_988] {strides = array<i32>} : memref<640xi32, #tpu.memory_space<vmem>>, vector<16xi32>,
    %jit3A_990 = arith.constant 0 : i32
    %jit3A_991 = arith.constant 80 : i32
    %max3A_992 = vector.broadcast %jit3A_990 : i32 to vector<16xi32>
    %max3A_993 = arith.maxsi %max3A_992, %get3A_989 : vector<16xi32>
    %min3A_994 = vector.broadcast %jit3A_991 : i32 to vector<16xi32>
    %min3A_995 = arith.minsi %min3A_994, %max3A_993 : vector<16xi32>
    %iota3A_996 = tpu.iota {dimensions = array<i32: 0>} : vector<16xi32>
    %add3A_997 = arith.constant 544 : i32
    %add3A_998 = vector.broadcast %add3A_997 : i32 to vector<16xi32>
    %add3A_999 = arith.addi %iota3A_996, %add3A_998 : vector<16xi32>
    %gather3A_1000 = tpu.vector_load_idx %arg10[%add3A_999, %min3A_995] : memref<640x81xf32, #tpu.memory_space<vmem>>[vector<16xi32>, vector<16xi32>], vector<16xf32>,
    %add3A_1001 = vector.broadcast %min3A_3 : i32 to vector<16xi32>
    %add3A_1002 = arith.addi %add3A_999, %add3A_1001 : vector<16xi32>
    %ge3A_1003 = vector.broadcast %mul3A_2 : i32 to vector<16xi32>
    %ge3A_1004 = arith.cmpi sge, %add3A_1002, %ge3A_1003 : vector<16xi32>
    %max3A_1005 = arith.constant 9.99999971E-10 : f32
    %max3A_1006 = vector.broadcast %max3A_1005 : f32 to vector<16xf32>
    %max3A_1007 = arith.maximumf %gather3A_1000, %max3A_1006 : vector<16xf32>
    %min3A_1008 = arith.constant 1.000000e+04 : f32
    %min3A_1009 = vector.broadcast %min3A_1008 : f32 to vector<16xf32>
    %min3A_1010 = arith.minimumf %max3A_1007, %min3A_1009 : vector<16xf32>
    tpu.vector_store_idx %arg11[%get3A_985], %min3A_1010 masked %ge3A_1004 {add = true} : memref<128xf32, #tpu.memory_space<vmem>>[vector<16xi32>], vector<16xf32>, vector<16xi1>
    tpu.vector_store_idx %arg12[%get3A_985], %broadcast_in_dim3A_24 masked %ge3A_1004 {add = true} : memref<128xf32, #tpu.memory_space<vmem>>[vector<16xi32>], vector<16xf32>, vector<16xi1>
    tpu.vector_store_idx %arg13[%get3A_985], %get3A_987 masked %ge3A_1004 {add = true} : memref<128xf32, #tpu.memory_space<vmem>>[vector<16xi32>], vector<16xf32>, vector<16xi1>
    %get3A_1011 = arith.constant 560 : index
    %get3A_1012 = tpu.vector_load %arg9[%get3A_1011] {strides = array<i32>} : memref<640xi32, #tpu.memory_space<vmem>>, vector<16xi32>,
    %get3A_1013 = arith.constant 560 : index
    %get3A_1014 = tpu.vector_load %arg8[%get3A_1013] {strides = array<i32>} : memref<640xf32, #tpu.memory_space<vmem>>, vector<16xf32>,
    %get3A_1015 = arith.constant 560 : index
    %get3A_1016 = tpu.vector_load %arg7[%get3A_1015] {strides = array<i32>} : memref<640xi32, #tpu.memory_space<vmem>>, vector<16xi32>,
    %jit3A_1017 = arith.constant 0 : i32
    %jit3A_1018 = arith.constant 80 : i32
    %max3A_1019 = vector.broadcast %jit3A_1017 : i32 to vector<16xi32>
    %max3A_1020 = arith.maxsi %max3A_1019, %get3A_1016 : vector<16xi32>
    %min3A_1021 = vector.broadcast %jit3A_1018 : i32 to vector<16xi32>
    %min3A_1022 = arith.minsi %min3A_1021, %max3A_1020 : vector<16xi32>
    %iota3A_1023 = tpu.iota {dimensions = array<i32: 0>} : vector<16xi32>
    %add3A_1024 = arith.constant 560 : i32
    %add3A_1025 = vector.broadcast %add3A_1024 : i32 to vector<16xi32>
    %add3A_1026 = arith.addi %iota3A_1023, %add3A_1025 : vector<16xi32>
    %gather3A_1027 = tpu.vector_load_idx %arg10[%add3A_1026, %min3A_1022] : memref<640x81xf32, #tpu.memory_space<vmem>>[vector<16xi32>, vector<16xi32>], vector<16xf32>,
    %add3A_1028 = vector.broadcast %min3A_3 : i32 to vector<16xi32>
    %add3A_1029 = arith.addi %add3A_1026, %add3A_1028 : vector<16xi32>
    %ge3A_1030 = vector.broadcast %mul3A_2 : i32 to vector<16xi32>
    %ge3A_1031 = arith.cmpi sge, %add3A_1029, %ge3A_1030 : vector<16xi32>
    %max3A_1032 = arith.constant 9.99999971E-10 : f32
    %max3A_1033 = vector.broadcast %max3A_1032 : f32 to vector<16xf32>
    %max3A_1034 = arith.maximumf %gather3A_1027, %max3A_1033 : vector<16xf32>
    %min3A_1035 = arith.constant 1.000000e+04 : f32
    %min3A_1036 = vector.broadcast %min3A_1035 : f32 to vector<16xf32>
    %min3A_1037 = arith.minimumf %max3A_1034, %min3A_1036 : vector<16xf32>
    tpu.vector_store_idx %arg11[%get3A_1012], %min3A_1037 masked %ge3A_1031 {add = true} : memref<128xf32, #tpu.memory_space<vmem>>[vector<16xi32>], vector<16xf32>, vector<16xi1>
    tpu.vector_store_idx %arg12[%get3A_1012], %broadcast_in_dim3A_24 masked %ge3A_1031 {add = true} : memref<128xf32, #tpu.memory_space<vmem>>[vector<16xi32>], vector<16xf32>, vector<16xi1>
    tpu.vector_store_idx %arg13[%get3A_1012], %get3A_1014 masked %ge3A_1031 {add = true} : memref<128xf32, #tpu.memory_space<vmem>>[vector<16xi32>], vector<16xf32>, vector<16xi1>
    %get3A_1038 = arith.constant 576 : index
    %get3A_1039 = tpu.vector_load %arg9[%get3A_1038] {strides = array<i32>} : memref<640xi32, #tpu.memory_space<vmem>>, vector<16xi32>,
    %get3A_1040 = arith.constant 576 : index
    %get3A_1041 = tpu.vector_load %arg8[%get3A_1040] {strides = array<i32>} : memref<640xf32, #tpu.memory_space<vmem>>, vector<16xf32>,
    %get3A_1042 = arith.constant 576 : index
    %get3A_1043 = tpu.vector_load %arg7[%get3A_1042] {strides = array<i32>} : memref<640xi32, #tpu.memory_space<vmem>>, vector<16xi32>,
    %jit3A_1044 = arith.constant 0 : i32
    %jit3A_1045 = arith.constant 80 : i32
    %max3A_1046 = vector.broadcast %jit3A_1044 : i32 to vector<16xi32>
    %max3A_1047 = arith.maxsi %max3A_1046, %get3A_1043 : vector<16xi32>
    %min3A_1048 = vector.broadcast %jit3A_1045 : i32 to vector<16xi32>
    %min3A_1049 = arith.minsi %min3A_1048, %max3A_1047 : vector<16xi32>
    %iota3A_1050 = tpu.iota {dimensions = array<i32: 0>} : vector<16xi32>
    %add3A_1051 = arith.constant 576 : i32
    %add3A_1052 = vector.broadcast %add3A_1051 : i32 to vector<16xi32>
    %add3A_1053 = arith.addi %iota3A_1050, %add3A_1052 : vector<16xi32>
    %gather3A_1054 = tpu.vector_load_idx %arg10[%add3A_1053, %min3A_1049] : memref<640x81xf32, #tpu.memory_space<vmem>>[vector<16xi32>, vector<16xi32>], vector<16xf32>,
    %add3A_1055 = vector.broadcast %min3A_3 : i32 to vector<16xi32>
    %add3A_1056 = arith.addi %add3A_1053, %add3A_1055 : vector<16xi32>
    %ge3A_1057 = vector.broadcast %mul3A_2 : i32 to vector<16xi32>
    %ge3A_1058 = arith.cmpi sge, %add3A_1056, %ge3A_1057 : vector<16xi32>
    %max3A_1059 = arith.constant 9.99999971E-10 : f32
    %max3A_1060 = vector.broadcast %max3A_1059 : f32 to vector<16xf32>
    %max3A_1061 = arith.maximumf %gather3A_1054, %max3A_1060 : vector<16xf32>
    %min3A_1062 = arith.constant 1.000000e+04 : f32
    %min3A_1063 = vector.broadcast %min3A_1062 : f32 to vector<16xf32>
    %min3A_1064 = arith.minimumf %max3A_1061, %min3A_1063 : vector<16xf32>
    tpu.vector_store_idx %arg11[%get3A_1039], %min3A_1064 masked %ge3A_1058 {add = true} : memref<128xf32, #tpu.memory_space<vmem>>[vector<16xi32>], vector<16xf32>, vector<16xi1>
    tpu.vector_store_idx %arg12[%get3A_1039], %broadcast_in_dim3A_24 masked %ge3A_1058 {add = true} : memref<128xf32, #tpu.memory_space<vmem>>[vector<16xi32>], vector<16xf32>, vector<16xi1>
    tpu.vector_store_idx %arg13[%get3A_1039], %get3A_1041 masked %ge3A_1058 {add = true} : memref<128xf32, #tpu.memory_space<vmem>>[vector<16xi32>], vector<16xf32>, vector<16xi1>
    %get3A_1065 = arith.constant 592 : index
    %get3A_1066 = tpu.vector_load %arg9[%get3A_1065] {strides = array<i32>} : memref<640xi32, #tpu.memory_space<vmem>>, vector<16xi32>,
    %get3A_1067 = arith.constant 592 : index
    %get3A_1068 = tpu.vector_load %arg8[%get3A_1067] {strides = array<i32>} : memref<640xf32, #tpu.memory_space<vmem>>, vector<16xf32>,
    %get3A_1069 = arith.constant 592 : index
    %get3A_1070 = tpu.vector_load %arg7[%get3A_1069] {strides = array<i32>} : memref<640xi32, #tpu.memory_space<vmem>>, vector<16xi32>,
    %jit3A_1071 = arith.constant 0 : i32
    %jit3A_1072 = arith.constant 80 : i32
    %max3A_1073 = vector.broadcast %jit3A_1071 : i32 to vector<16xi32>
    %max3A_1074 = arith.maxsi %max3A_1073, %get3A_1070 : vector<16xi32>
    %min3A_1075 = vector.broadcast %jit3A_1072 : i32 to vector<16xi32>
    %min3A_1076 = arith.minsi %min3A_1075, %max3A_1074 : vector<16xi32>
    %iota3A_1077 = tpu.iota {dimensions = array<i32: 0>} : vector<16xi32>
    %add3A_1078 = arith.constant 592 : i32
    %add3A_1079 = vector.broadcast %add3A_1078 : i32 to vector<16xi32>
    %add3A_1080 = arith.addi %iota3A_1077, %add3A_1079 : vector<16xi32>
    %gather3A_1081 = tpu.vector_load_idx %arg10[%add3A_1080, %min3A_1076] : memref<640x81xf32, #tpu.memory_space<vmem>>[vector<16xi32>, vector<16xi32>], vector<16xf32>,
    %add3A_1082 = vector.broadcast %min3A_3 : i32 to vector<16xi32>
    %add3A_1083 = arith.addi %add3A_1080, %add3A_1082 : vector<16xi32>
    %ge3A_1084 = vector.broadcast %mul3A_2 : i32 to vector<16xi32>
    %ge3A_1085 = arith.cmpi sge, %add3A_1083, %ge3A_1084 : vector<16xi32>
    %max3A_1086 = arith.constant 9.99999971E-10 : f32
    %max3A_1087 = vector.broadcast %max3A_1086 : f32 to vector<16xf32>
    %max3A_1088 = arith.maximumf %gather3A_1081, %max3A_1087 : vector<16xf32>
    %min3A_1089 = arith.constant 1.000000e+04 : f32
    %min3A_1090 = vector.broadcast %min3A_1089 : f32 to vector<16xf32>
    %min3A_1091 = arith.minimumf %max3A_1088, %min3A_1090 : vector<16xf32>
    tpu.vector_store_idx %arg11[%get3A_1066], %min3A_1091 masked %ge3A_1085 {add = true} : memref<128xf32, #tpu.memory_space<vmem>>[vector<16xi32>], vector<16xf32>, vector<16xi1>
    tpu.vector_store_idx %arg12[%get3A_1066], %broadcast_in_dim3A_24 masked %ge3A_1085 {add = true} : memref<128xf32, #tpu.memory_space<vmem>>[vector<16xi32>], vector<16xf32>, vector<16xi1>
    tpu.vector_store_idx %arg13[%get3A_1066], %get3A_1068 masked %ge3A_1085 {add = true} : memref<128xf32, #tpu.memory_space<vmem>>[vector<16xi32>], vector<16xf32>, vector<16xi1>
    %get3A_1092 = arith.constant 608 : index
    %get3A_1093 = tpu.vector_load %arg9[%get3A_1092] {strides = array<i32>} : memref<640xi32, #tpu.memory_space<vmem>>, vector<16xi32>,
    %get3A_1094 = arith.constant 608 : index
    %get3A_1095 = tpu.vector_load %arg8[%get3A_1094] {strides = array<i32>} : memref<640xf32, #tpu.memory_space<vmem>>, vector<16xf32>,
    %get3A_1096 = arith.constant 608 : index
    %get3A_1097 = tpu.vector_load %arg7[%get3A_1096] {strides = array<i32>} : memref<640xi32, #tpu.memory_space<vmem>>, vector<16xi32>,
    %jit3A_1098 = arith.constant 0 : i32
    %jit3A_1099 = arith.constant 80 : i32
    %max3A_1100 = vector.broadcast %jit3A_1098 : i32 to vector<16xi32>
    %max3A_1101 = arith.maxsi %max3A_1100, %get3A_1097 : vector<16xi32>
    %min3A_1102 = vector.broadcast %jit3A_1099 : i32 to vector<16xi32>
    %min3A_1103 = arith.minsi %min3A_1102, %max3A_1101 : vector<16xi32>
    %iota3A_1104 = tpu.iota {dimensions = array<i32: 0>} : vector<16xi32>
    %add3A_1105 = arith.constant 608 : i32
    %add3A_1106 = vector.broadcast %add3A_1105 : i32 to vector<16xi32>
    %add3A_1107 = arith.addi %iota3A_1104, %add3A_1106 : vector<16xi32>
    %gather3A_1108 = tpu.vector_load_idx %arg10[%add3A_1107, %min3A_1103] : memref<640x81xf32, #tpu.memory_space<vmem>>[vector<16xi32>, vector<16xi32>], vector<16xf32>,
    %add3A_1109 = vector.broadcast %min3A_3 : i32 to vector<16xi32>
    %add3A_1110 = arith.addi %add3A_1107, %add3A_1109 : vector<16xi32>
    %ge3A_1111 = vector.broadcast %mul3A_2 : i32 to vector<16xi32>
    %ge3A_1112 = arith.cmpi sge, %add3A_1110, %ge3A_1111 : vector<16xi32>
    %max3A_1113 = arith.constant 9.99999971E-10 : f32
    %max3A_1114 = vector.broadcast %max3A_1113 : f32 to vector<16xf32>
    %max3A_1115 = arith.maximumf %gather3A_1108, %max3A_1114 : vector<16xf32>
    %min3A_1116 = arith.constant 1.000000e+04 : f32
    %min3A_1117 = vector.broadcast %min3A_1116 : f32 to vector<16xf32>
    %min3A_1118 = arith.minimumf %max3A_1115, %min3A_1117 : vector<16xf32>
    tpu.vector_store_idx %arg11[%get3A_1093], %min3A_1118 masked %ge3A_1112 {add = true} : memref<128xf32, #tpu.memory_space<vmem>>[vector<16xi32>], vector<16xf32>, vector<16xi1>
    tpu.vector_store_idx %arg12[%get3A_1093], %broadcast_in_dim3A_24 masked %ge3A_1112 {add = true} : memref<128xf32, #tpu.memory_space<vmem>>[vector<16xi32>], vector<16xf32>, vector<16xi1>
    tpu.vector_store_idx %arg13[%get3A_1093], %get3A_1095 masked %ge3A_1112 {add = true} : memref<128xf32, #tpu.memory_space<vmem>>[vector<16xi32>], vector<16xf32>, vector<16xi1>
    %get3A_1119 = arith.constant 624 : index
    %get3A_1120 = tpu.vector_load %arg9[%get3A_1119] {strides = array<i32>} : memref<640xi32, #tpu.memory_space<vmem>>, vector<16xi32>,
    %get3A_1121 = arith.constant 624 : index
    %get3A_1122 = tpu.vector_load %arg8[%get3A_1121] {strides = array<i32>} : memref<640xf32, #tpu.memory_space<vmem>>, vector<16xf32>,
    %get3A_1123 = arith.constant 624 : index
    %get3A_1124 = tpu.vector_load %arg7[%get3A_1123] {strides = array<i32>} : memref<640xi32, #tpu.memory_space<vmem>>, vector<16xi32>,
    %jit3A_1125 = arith.constant 0 : i32
    %jit3A_1126 = arith.constant 80 : i32
    %max3A_1127 = vector.broadcast %jit3A_1125 : i32 to vector<16xi32>
    %max3A_1128 = arith.maxsi %max3A_1127, %get3A_1124 : vector<16xi32>
    %min3A_1129 = vector.broadcast %jit3A_1126 : i32 to vector<16xi32>
    %min3A_1130 = arith.minsi %min3A_1129, %max3A_1128 : vector<16xi32>
    %iota3A_1131 = tpu.iota {dimensions = array<i32: 0>} : vector<16xi32>
    %add3A_1132 = arith.constant 624 : i32
    %add3A_1133 = vector.broadcast %add3A_1132 : i32 to vector<16xi32>
    %add3A_1134 = arith.addi %iota3A_1131, %add3A_1133 : vector<16xi32>
    %gather3A_1135 = tpu.vector_load_idx %arg10[%add3A_1134, %min3A_1130] : memref<640x81xf32, #tpu.memory_space<vmem>>[vector<16xi32>, vector<16xi32>], vector<16xf32>,
    %add3A_1136 = vector.broadcast %min3A_3 : i32 to vector<16xi32>
    %add3A_1137 = arith.addi %add3A_1134, %add3A_1136 : vector<16xi32>
    %ge3A_1138 = vector.broadcast %mul3A_2 : i32 to vector<16xi32>
    %ge3A_1139 = arith.cmpi sge, %add3A_1137, %ge3A_1138 : vector<16xi32>
    %max3A_1140 = arith.constant 9.99999971E-10 : f32
    %max3A_1141 = vector.broadcast %max3A_1140 : f32 to vector<16xf32>
    %max3A_1142 = arith.maximumf %gather3A_1135, %max3A_1141 : vector<16xf32>
    %min3A_1143 = arith.constant 1.000000e+04 : f32
    %min3A_1144 = vector.broadcast %min3A_1143 : f32 to vector<16xf32>
    %min3A_1145 = arith.minimumf %max3A_1142, %min3A_1144 : vector<16xf32>
    tpu.vector_store_idx %arg11[%get3A_1120], %min3A_1145 masked %ge3A_1139 {add = true} : memref<128xf32, #tpu.memory_space<vmem>>[vector<16xi32>], vector<16xf32>, vector<16xi1>
    tpu.vector_store_idx %arg12[%get3A_1120], %broadcast_in_dim3A_24 masked %ge3A_1139 {add = true} : memref<128xf32, #tpu.memory_space<vmem>>[vector<16xi32>], vector<16xf32>, vector<16xi1>
    tpu.vector_store_idx %arg13[%get3A_1120], %get3A_1122 masked %ge3A_1139 {add = true} : memref<128xf32, #tpu.memory_space<vmem>>[vector<16xi32>], vector<16xf32>, vector<16xi1>
    "tpu.region"() ({
      %run_scoped3A = tpu.sem_alloc : memref<!tpu.dma_semaphore, #tpu.memory_space<semaphore_mem>>
      %dma_start3A_1150 = arith.constant 0 : i32
      %dma_start3A_1151 = tpu.memref_slice %arg6[%add3A, %dma_start3A_1150] : memref<96x128xf32, #tpu.memory_space<hbm>> -> memref<1x128xf32, #tpu.memory_space<hbm>>
      %dma_start3A_1152 = tpu.memref_squeeze %dma_start3A_1151 : memref<1x128xf32, #tpu.memory_space<hbm>> -> memref<128xf32, #tpu.memory_space<hbm>>
      %dma_start3A_1153 = arith.constant 0 : i32
      %dma_start3A_1154 = tpu.memref_slice %arg6[%add3A, %dma_start3A_1153] : memref<96x128xf32, #tpu.memory_space<hbm>> -> memref<1x128xf32, #tpu.memory_space<hbm>>
      %dma_start3A_1155 = tpu.memref_squeeze %dma_start3A_1154 : memref<1x128xf32, #tpu.memory_space<hbm>> -> memref<128xf32, #tpu.memory_space<hbm>>
      tpu.enqueue_dma source(%arg11 : memref<128xf32, #tpu.memory_space<vmem>>) target(%dma_start3A_1155 : memref<128xf32, #tpu.memory_space<hbm>>) target_semaphore(%run_scoped3A : memref<!tpu.dma_semaphore, #tpu.memory_space<semaphore_mem>>)
      %dma_wait3A_1156 = arith.constant 0 : i32
      %dma_wait3A_1157 = tpu.memref_slice %arg6[%add3A, %dma_wait3A_1156] : memref<96x128xf32, #tpu.memory_space<hbm>> -> memref<1x128xf32, #tpu.memory_space<hbm>>
      %dma_wait3A_1158 = tpu.memref_squeeze %dma_wait3A_1157 : memref<1x128xf32, #tpu.memory_space<hbm>> -> memref<128xf32, #tpu.memory_space<hbm>>
      %dma_wait3A_1159 = arith.constant 0 : i32
      %dma_wait3A_1160 = tpu.memref_slice %arg6[%add3A, %dma_wait3A_1159] : memref<96x128xf32, #tpu.memory_space<hbm>> -> memref<1x128xf32, #tpu.memory_space<hbm>>
      %dma_wait3A_1161 = tpu.memref_squeeze %dma_wait3A_1160 : memref<1x128xf32, #tpu.memory_space<hbm>> -> memref<128xf32, #tpu.memory_space<hbm>>
      tpu.wait_dma2 semaphore(%run_scoped3A : memref<!tpu.dma_semaphore, #tpu.memory_space<semaphore_mem>>) src(%arg11 : memref<128xf32, #tpu.memory_space<vmem>>) dst(%dma_wait3A_1161 : memref<128xf32, #tpu.memory_space<hbm>>)
      tpu.yield
    }) : () -> ()
    %add3A_1146 = arith.constant 32 : i32
    %add3A_1147 = arith.addi %add3A_1146, %add3A : i32
    "tpu.region"() ({
      %run_scoped3A = tpu.sem_alloc : memref<!tpu.dma_semaphore, #tpu.memory_space<semaphore_mem>>
      %dma_start3A_1150 = arith.constant 0 : i32
      %dma_start3A_1151 = tpu.memref_slice %arg6[%add3A_1147, %dma_start3A_1150] : memref<96x128xf32, #tpu.memory_space<hbm>> -> memref<1x128xf32, #tpu.memory_space<hbm>>
      %dma_start3A_1152 = tpu.memref_squeeze %dma_start3A_1151 : memref<1x128xf32, #tpu.memory_space<hbm>> -> memref<128xf32, #tpu.memory_space<hbm>>
      %dma_start3A_1153 = arith.constant 0 : i32
      %dma_start3A_1154 = tpu.memref_slice %arg6[%add3A_1147, %dma_start3A_1153] : memref<96x128xf32, #tpu.memory_space<hbm>> -> memref<1x128xf32, #tpu.memory_space<hbm>>
      %dma_start3A_1155 = tpu.memref_squeeze %dma_start3A_1154 : memref<1x128xf32, #tpu.memory_space<hbm>> -> memref<128xf32, #tpu.memory_space<hbm>>
      tpu.enqueue_dma source(%arg12 : memref<128xf32, #tpu.memory_space<vmem>>) target(%dma_start3A_1155 : memref<128xf32, #tpu.memory_space<hbm>>) target_semaphore(%run_scoped3A : memref<!tpu.dma_semaphore, #tpu.memory_space<semaphore_mem>>)
      %dma_wait3A_1156 = arith.constant 0 : i32
      %dma_wait3A_1157 = tpu.memref_slice %arg6[%add3A_1147, %dma_wait3A_1156] : memref<96x128xf32, #tpu.memory_space<hbm>> -> memref<1x128xf32, #tpu.memory_space<hbm>>
      %dma_wait3A_1158 = tpu.memref_squeeze %dma_wait3A_1157 : memref<1x128xf32, #tpu.memory_space<hbm>> -> memref<128xf32, #tpu.memory_space<hbm>>
      %dma_wait3A_1159 = arith.constant 0 : i32
      %dma_wait3A_1160 = tpu.memref_slice %arg6[%add3A_1147, %dma_wait3A_1159] : memref<96x128xf32, #tpu.memory_space<hbm>> -> memref<1x128xf32, #tpu.memory_space<hbm>>
      %dma_wait3A_1161 = tpu.memref_squeeze %dma_wait3A_1160 : memref<1x128xf32, #tpu.memory_space<hbm>> -> memref<128xf32, #tpu.memory_space<hbm>>
      tpu.wait_dma2 semaphore(%run_scoped3A : memref<!tpu.dma_semaphore, #tpu.memory_space<semaphore_mem>>) src(%arg12 : memref<128xf32, #tpu.memory_space<vmem>>) dst(%dma_wait3A_1161 : memref<128xf32, #tpu.memory_space<hbm>>)
      tpu.yield
    }) : () -> ()
    %add3A_1148 = arith.constant 64 : i32
    %add3A_1149 = arith.addi %add3A_1148, %add3A : i32
    "tpu.region"() ({
      %run_scoped3A = tpu.sem_alloc : memref<!tpu.dma_semaphore, #tpu.memory_space<semaphore_mem>>
      %dma_start3A_1150 = arith.constant 0 : i32
      %dma_start3A_1151 = tpu.memref_slice %arg6[%add3A_1149, %dma_start3A_1150] : memref<96x128xf32, #tpu.memory_space<hbm>> -> memref<1x128xf32, #tpu.memory_space<hbm>>
      %dma_start3A_1152 = tpu.memref_squeeze %dma_start3A_1151 : memref<1x128xf32, #tpu.memory_space<hbm>> -> memref<128xf32, #tpu.memory_space<hbm>>
      %dma_start3A_1153 = arith.constant 0 : i32
      %dma_start3A_1154 = tpu.memref_slice %arg6[%add3A_1149, %dma_start3A_1153] : memref<96x128xf32, #tpu.memory_space<hbm>> -> memref<1x128xf32, #tpu.memory_space<hbm>>
      %dma_start3A_1155 = tpu.memref_squeeze %dma_start3A_1154 : memref<1x128xf32, #tpu.memory_space<hbm>> -> memref<128xf32, #tpu.memory_space<hbm>>
      tpu.enqueue_dma source(%arg13 : memref<128xf32, #tpu.memory_space<vmem>>) target(%dma_start3A_1155 : memref<128xf32, #tpu.memory_space<hbm>>) target_semaphore(%run_scoped3A : memref<!tpu.dma_semaphore, #tpu.memory_space<semaphore_mem>>)
      %dma_wait3A_1156 = arith.constant 0 : i32
      %dma_wait3A_1157 = tpu.memref_slice %arg6[%add3A_1149, %dma_wait3A_1156] : memref<96x128xf32, #tpu.memory_space<hbm>> -> memref<1x128xf32, #tpu.memory_space<hbm>>
      %dma_wait3A_1158 = tpu.memref_squeeze %dma_wait3A_1157 : memref<1x128xf32, #tpu.memory_space<hbm>> -> memref<128xf32, #tpu.memory_space<hbm>>
      %dma_wait3A_1159 = arith.constant 0 : i32
      %dma_wait3A_1160 = tpu.memref_slice %arg6[%add3A_1149, %dma_wait3A_1159] : memref<96x128xf32, #tpu.memory_space<hbm>> -> memref<1x128xf32, #tpu.memory_space<hbm>>
      %dma_wait3A_1161 = tpu.memref_squeeze %dma_wait3A_1160 : memref<1x128xf32, #tpu.memory_space<hbm>> -> memref<128xf32, #tpu.memory_space<hbm>>
      tpu.wait_dma2 semaphore(%run_scoped3A : memref<!tpu.dma_semaphore, #tpu.memory_space<semaphore_mem>>) src(%arg13 : memref<128xf32, #tpu.memory_space<vmem>>) dst(%dma_wait3A_1161 : memref<128xf32, #tpu.memory_space<hbm>>)
      tpu.yield
    }) : () -> ()
    return
  }
}

module attributes {stable_mosaic.version = 14 : i64} {
  func.func @_tc_combine_body(%arg0: memref<96x128xf32, #tpu.memory_space<vmem>>, %arg1: memref<1x1xf32, #tpu.memory_space<vmem>>) attributes {dimension_semantics = [], scalar_prefetch = 0 : i64, scratch_operands = 0 : i64, tpu.core_type = #tpu.core_type<tc>} {
    %get3A = arith.constant 0 : index
    %get3A_0 = arith.constant 0 : index
    %get3A_1 = vector.load %arg0[%get3A, %get3A_0] : memref<96x128xf32, #tpu.memory_space<vmem>>, vector<96x128xf32>
    %slice3A = vector.extract_strided_slice %get3A_1 {offsets = [0, 0], sizes = [32, 128], strides = [1, 1]} : vector<96x128xf32> to vector<32x128xf32>
    %reduce_sum3A = arith.constant dense<0.000000e+00> : vector<128xf32>
    %reduce_sum3A_2 = vector.multi_reduction <add>, %slice3A, %reduce_sum3A [0] : vector<32x128xf32> to vector<128xf32>
    %broadcast_in_dim3A = vector.shape_cast %reduce_sum3A_2 : vector<128xf32> to vector<1x128xf32>
    %slice3A_3 = vector.extract_strided_slice %get3A_1 {offsets = [32, 0], sizes = [32, 128], strides = [1, 1]} : vector<96x128xf32> to vector<32x128xf32>
    %reduce_sum3A_4 = arith.constant dense<0.000000e+00> : vector<128xf32>
    %reduce_sum3A_5 = vector.multi_reduction <add>, %slice3A_3, %reduce_sum3A_4 [0] : vector<32x128xf32> to vector<128xf32>
    %broadcast_in_dim3A_6 = vector.shape_cast %reduce_sum3A_5 : vector<128xf32> to vector<1x128xf32>
    %slice3A_7 = vector.extract_strided_slice %get3A_1 {offsets = [64, 0], sizes = [32, 128], strides = [1, 1]} : vector<96x128xf32> to vector<32x128xf32>
    %reduce_sum3A_8 = arith.constant dense<0.000000e+00> : vector<128xf32>
    %reduce_sum3A_9 = vector.multi_reduction <add>, %slice3A_7, %reduce_sum3A_8 [0] : vector<32x128xf32> to vector<128xf32>
    %broadcast_in_dim3A_10 = vector.shape_cast %reduce_sum3A_9 : vector<128xf32> to vector<1x128xf32>
    %gt3A = arith.constant 0.000000e+00 : f32
    %gt3A_11 = vector.broadcast %gt3A : f32 to vector<1x128xf32>
    %gt3A_12 = arith.cmpf ogt, %broadcast_in_dim3A_6, %gt3A_11 : vector<1x128xf32>
    %max3A = arith.constant 1.000000e+00 : f32
    %max3A_13 = vector.broadcast %max3A : f32 to vector<1x128xf32>
    %max3A_14 = arith.maximumf %broadcast_in_dim3A_6, %max3A_13 : vector<1x128xf32>
    %div3A = arith.divf %broadcast_in_dim3A, %max3A_14 : vector<1x128xf32>
    %jit3A = arith.constant 1.000000e+00 : f32
    %broadcast_in_dim3A_15 = vector.broadcast %jit3A : f32 to vector<1x128xf32>
    %select_n3A = arith.select %gt3A_12, %div3A, %broadcast_in_dim3A_15 : vector<1x128xi1>, vector<1x128xf32>
    %log3A = math.log %select_n3A : vector<1x128xf32>
    %mul3A = arith.mulf %log3A, %broadcast_in_dim3A_10 : vector<1x128xf32>
    %jit3A_16 = arith.constant 0.000000e+00 : f32
    %broadcast_in_dim3A_17 = vector.broadcast %jit3A_16 : f32 to vector<1x128xf32>
    %select_n3A_18 = arith.select %gt3A_12, %mul3A, %broadcast_in_dim3A_17 : vector<1x128xi1>, vector<1x128xf32>
    %reduce_sum3A_19 = vector.shape_cast %select_n3A_18 : vector<1x128xf32> to vector<1x1x128xf32>
    %reduce_sum3A_20 = arith.constant dense<0.000000e+00> : vector<1xf32>
    %reduce_sum3A_21 = vector.multi_reduction <add>, %reduce_sum3A_19, %reduce_sum3A_20 [1, 2] : vector<1x1x128xf32> to vector<1xf32>
    %reduce_sum3A_22 = vector.shape_cast %reduce_sum3A_21 : vector<1xf32> to vector<1x1x1xf32>
    %reduce_sum3A_23 = vector.extract %reduce_sum3A_22[0, 0, 0] : f32 from vector<1x1x1xf32>
    %broadcast_in_dim3A_24 = vector.broadcast %reduce_sum3A_23 : f32 to vector<1x1xf32>
    %neg3A = arith.constant 0.000000e+00 : f32
    %neg3A_25 = vector.broadcast %neg3A : f32 to vector<1x1xf32>
    %neg3A_26 = arith.subf %neg3A_25, %broadcast_in_dim3A_24 : vector<1x1xf32>
    %mul3A_27 = arith.constant 5.000000e-05 : f32
    %mul3A_28 = vector.broadcast %mul3A_27 : f32 to vector<1x1xf32>
    %mul3A_29 = arith.mulf %neg3A_26, %mul3A_28 : vector<1x1xf32>
    %swap3A = arith.constant 0 : index
    %swap3A_30 = arith.constant 0 : index
    %swap3A_31 = vector.load %arg1[%swap3A, %swap3A_30] : memref<1x1xf32, #tpu.memory_space<vmem>>, vector<1x1xf32>
    tpu.vector_store %arg1[%swap3A, %swap3A_30], %mul3A_29 {strides = array<i32>} : memref<1x1xf32, #tpu.memory_space<vmem>>, vector<1x1xf32>,
    return
  }
}

</mosaic_0001>

<sc_bundles>
// kernel: kernel.4.cloned.1.call-start
scs
__scs_entry_jumppad:
0x0: {  	(pc) =	sbr.rel $0x88, $3  }
0x1: {  	(tag) =	ssettag $0x0;
	lr =	simm.s32 $0x1  }
0x2: {  	[smem:$0x3F9D] =	sst lr;
	_ =	strace $0xD0000000  }
0x3: {  	_ = 	snop  }
0x4: {  	_ = 	snop  }
0x5: {  	_ = 	snop  }
0x6: {  	_ = 	snop  }
0x7: {  	_ = 	snop  }
__scs_overlays_trampoline_lowered:
0x8: {  	[smem:$0x3FAC] =	sst s0  }
0x9: {  	[smem:$0x3FAD] =	sst s1  }
0xa: {  	[smem:$0x3FAE] =	sst s2  }
0xb: {  	[smem:$0x3FAF] =	sst s3  }
0xc: {  	[smem:$0x3FB0] =	sst s4  }
0xd: {  	[smem:$0x3FB1] =	sst s5  }
0xe: {  	[smem:$0x3FB2] =	sst s6  }
0xf: {  	[smem:$0x3FB3] =	sst s7  }
0x10: {  	[smem:$0x3FB4] =	sst s8  }
0x11: {  	[smem:$0x3FB5] =	sst s9;
	s0 =	simm.s32 @!p0 $0x0  }
0x12: {  	s1 =	sld [smem:$0x3F9B];
	s0 =	simm.s32 @p0 $0x1  }
0x13: {  	[smem:$0x3FB6] =	sst s0;
	s0 =	simm.s32 @!p1 $0x0  }
0x14: {  	s2 =	sld [smem:$0x3F9A];
	s0 =	simm.s32 @p1 $0x1  }
0x15: {  	[smem:$0x3FB7] =	sst s0;
	s0 =	simm.s32 @!p2 $0x0  }
0x16: {  	s3 =	sld [smem:$0x3FDB];
	s0 =	simm.s32 @p2 $0x1  }
0x17: {  	s4 =	simm.s32 $0x1BF5;
	[smem:$0x3FB9] =	sst s0  }
0x18: {  	s0 =	sld [smem:$0x3F9C];
	_ =	swait.ge [sflag:s4], $0x0  }
0x19: {  	s7 =	sld [smem:$0x3F9D]  }
0x1a: {  	s8 =	sadd.s32 $0xFFFFE003, lr  }
0x1b: {  	s9 =	sadd.s32 $0xFFFFFEF7, lr;
	s5 =	simm.s32 $0xFFFFFFFF;
	p2 =	slt.u32 s8, $0xFFFFF086  }
0x1c: {  	p1 =	slt.u32 s9, $0xF7A;
	s5 =	simm.s32 @!p2 $0x0  }
0x1d: {  	s5 =	simm.s32 @p1 $0x1;
	p0 =	seq.s32 s7, s2  }
0x1e: {  	s7 =	smul.u32 @!p0 $0xF7A, s2;
	p2 =	seq.s32 @!p0 s5, $0x0  }
0x1f: {  	s9 =	smul.u32 $0xF7A, s1;
	s8 =	simm.s32 @!p0 $0x1BF5;
	p2 =	por !p2, p0  }
0x20: {  	[sflag:s8] =	ssyncset.s32 @!p0 $0xFFFFF086;
	s6 =	sadd.s32 @!p0 s3, s7;
	s7 =	simm.s32 @!p0 $0x108  }
0x21: {  	s3 =	sadd.s32 s3, s9;
	s6 =	sadd.s32 @!p0 $0x88, s6;
	s7 =	simm.s32 @p2 $0x1082  }
0x22: {  	[simem:s7], [sflag:s8] =	dma.local @!p0 [hbm:s6], $0xF7A  }
0x23: {  	s9 =	sor.u32 $0xD0000000, s2;
	s6 =	simm.s32 $0x108;
	_ =	swait.ge @!p0 [sflag:s8], $0x0  }
0x24: {  	s3 =	sadd.s32 $0x88, s3;
	s6 =	simm.s32 @!p1 $0x1082;
	[sflag:s4] =	ssyncset.s32 $0xFFFFF086  }
0x25: {  	[simem:s6], [sflag:s4] =	dma.local [hbm:s3], $0xF7A  }
0x26: {  	[smem:$0x3F9D] =	sst s1;
	(tag) =	ssettag s2;
	_ =	strace s9  }
0x27: {  	s1 =	sld [smem:$0x3FAD]  }
0x28: {  	s2 =	sld [smem:$0x3FAE]  }
0x29: {  	s4 =	sld [smem:$0x3FB0]  }
0x2a: {  	p0 =	seq.s32 s5, $0x0;
	s5 =	sld [smem:$0x3FB1]  }
0x2b: {  	s6 =	sld [smem:$0x3FB2]  }
0x2c: {  	s7 =	sld [smem:$0x3FB3]  }
0x2d: {  	s3 =	simm.s32 $0x108;
	s8 =	sld [smem:$0x3FB4]  }
0x2e: {  	s3 =	simm.s32 @!p0 $0x1082;
	s9 =	sld [smem:$0x3FB5]  }
0x2f: {  	lr =	sadd.s32 s0, s3;
	s0 =	sld [smem:$0x3FAC]  }
0x30: {  	s3 =	sld [smem:$0x3FAF]  }
0x31: {  	[smem:$0x3FB8] =	sst s10  }
0x32: {  	s10 =	sld [smem:$0x3FB6];
	_ =	sdelay $0x3  }
0x33: {  	p0 =	seq.s32 s10, $0x1;
	s10 =	sld [smem:$0x3FB8];
	_ =	sdelay $0x3  }
0x34: {  	[smem:$0x3FB8] =	sst s10  }
0x35: {  	s10 =	sld [smem:$0x3FB7];
	_ =	sdelay $0x3  }
0x36: {  	p1 =	seq.s32 s10, $0x1;
	s10 =	sld [smem:$0x3FB8];
	_ =	sdelay $0x3  }
0x37: {  	[smem:$0x3FB8] =	sst s10  }
0x38: {  	s10 =	sld [smem:$0x3FB9]  }
0x39: {  	_ = 	snop;
	(pc) =	sbr.ind lr, $3  }
0x3a: {  	_ = 	snop  }
0x3b: {  	_ = 	snop  }
0x3c: {  	p2 =	seq.s32 s10, $0x1;
	s10 =	sld [smem:$0x3FB8]  }
0x3d: {  	_ =	shalt  }
0x3e: {  	_ =	shalt  }
0x3f: {  	_ =	shalt  }
0x40: {  	_ =	shalt  }
0x41: {  	_ =	shalt  }
0x42: {  	_ =	shalt  }
0x43: {  	_ =	shalt  }
0x44: {  	_ =	shalt  }
0x45: {  	_ =	shalt  }
0x46: {  	_ =	shalt  }
0x47: {  	_ =	shalt  }
0x48: {  	_ =	shalt  }
0x49: {  	_ =	shalt  }
0x4a: {  	_ =	shalt  }
0x4b: {  	_ =	shalt  }
0x4c: {  	_ =	shalt  }
0x4d: {  	_ =	shalt  }
0x4e: {  	_ =	shalt  }
0x4f: {  	_ =	shalt  }
0x50: {  	_ =	shalt  }
0x51: {  	_ =	shalt  }
0x52: {  	_ =	shalt  }
0x53: {  	_ =	shalt  }
0x54: {  	_ =	shalt  }
0x55: {  	_ =	shalt  }
0x56: {  	_ =	shalt  }
0x57: {  	_ =	shalt  }
0x58: {  	_ =	shalt  }
0x59: {  	_ =	shalt  }
0x5a: {  	_ =	shalt  }
0x5b: {  	_ =	shalt  }
0x5c: {  	_ =	shalt  }
0x5d: {  	_ =	shalt  }
0x5e: {  	_ =	shalt  }
0x5f: {  	_ =	shalt  }
0x60: {  	_ =	shalt  }
0x61: {  	_ =	shalt  }
0x62: {  	_ =	shalt  }
0x63: {  	_ =	shalt  }
0x64: {  	_ =	shalt  }
0x65: {  	_ =	shalt  }
0x66: {  	_ =	shalt  }
0x67: {  	_ =	shalt  }
0x68: {  	_ =	shalt  }
0x69: {  	_ =	shalt  }
0x6a: {  	_ =	shalt  }
0x6b: {  	_ =	shalt  }
0x6c: {  	_ =	shalt  }
0x6d: {  	_ =	shalt  }
0x6e: {  	_ =	shalt  }
0x6f: {  	_ =	shalt  }
0x70: {  	_ =	shalt  }
0x71: {  	_ =	shalt  }
0x72: {  	_ =	shalt  }
0x73: {  	_ =	shalt  }
0x74: {  	_ =	shalt  }
0x75: {  	_ =	shalt  }
0x76: {  	_ =	shalt  }
0x77: {  	_ =	shalt  }
0x78: {  	_ =	shalt  }
0x79: {  	_ =	shalt  }
0x7a: {  	_ =	shalt  }
0x7b: {  	_ =	shalt  }
0x7c: {  	_ =	shalt  }
0x7d: {  	_ =	shalt  }
0x7e: {  	_ =	shalt  }
0x7f: {  	_ =	shalt  }
0x80: {  	_ =	shalt  }
0x81: {  	_ =	shalt  }
0x82: {  	_ =	shalt  }
0x83: {  	_ =	shalt  }
0x84: {  	_ =	shalt  }
0x85: {  	_ =	shalt  }
0x86: {  	_ =	shalt  }
0x87: {  	_ =	shalt  }
.Lfunc_end0:
.L_simem_size_0:
called_computation_lowered:
.L_overlay_start_0:
0x88: {  	s2 =	sld [smem:$0x3FD9]  }
0x89: {  	s3 =	sld [smem:$0x3FFE];
	_ =	sdelay $0x1  }
0x8a: {  	s1 =	srdreg.scid  }
0x8b: {  	s0 =	sand.u32 $0x1, s1  }
0x8c: {  	s17 =	sshll.u32 s0, $0xA;
	s2 =	sadd.s32 s3, s2  }
0x8d: {  	s2 =	sadd.s32 s2, s17  }
0x8e: {  	[smem:$0x3FC4] =	sst s2  }
0x8f: {  	_ = 	snop  }
0x90: {  	s2 =	sld [smem:$0x3FC8]  }
0x91: {  	s18 =	sld [smem:$0x3FC7]  }
0x92: {  	s4 =	sld [smem:$0x3FC6];
	(tm) =	ssettm $0x1  }
0x93: {  	s5 =	sld [smem:$0x3FFB];
	_ =	sdelay $0x3  }
0x94: {  	_ =	strace s5  }
0x95: {  	s5 =	sld [smem:$0x3FFC];
	_ =	sdelay $0x3  }
0x96: {  	_ =	strace s5  }
0x97: {  	s5 =	sld [smem:$0x3FFD];
	_ =	sdelay $0x3  }
0x98: {  	_ =	strace s5  }
0x99: {  	_ =	strace $0x8FFFFFFF  }
0x9a: {  	s19 =	sld [smem:$0x3FDB];
	_ =	sdelay $0x1  }
0x9b: {  	s6 =	simm.s32 $_scs_section_size  }
0x9c: {  	s7 =	simm.s32 $_size__tile_overlayer_lowered;
	s8 =	simm.s32 $_tile_overlayer_lowered  }
0x9d: {  	s22 =	simm.s32 $0x1BFF;
	s21 =	sshll.u32 s8, $0x1;
	s5 =	sadd.s32 s6, s19  }
0x9e: {  	s9 =	simm.s32 $0x0;
	s20 =	sshll.u32 s7, $0x1;
	s7 =	sadd.s32 s21, s5  }
0x9f: {  	[timem:s9], [sflag:s22] =	dma.local [hbm:s7], s20  }
0xa0: {  	_ =	swait.ge [sflag:s22], s20  }
0xa1: {  	s6 =	ssub.s32 $0x0, s20;
	[sflag:s22] =	ssyncset.done $0x0  }
0xa2: {  	[sflag:s22] =	ssyncadd.s32 s6;
	_ =	sdelay $0x1  }
0xa3: {  	s23 =	simm.s32 $0x1B8B  }
0xa4: {  	_ =	swait.ge [sflag:s23], $0x1  }
0xa5: {  	[sflag:s23] =	ssyncset.done $0x0  }
0xa6: {  	s25 =	simm.s32 $0x1B8E;
	s24 =	sld [smem:$0x3FFE];
	[sflag:s23] =	ssyncadd.s32 $0xFFFFFFFF  }
0xa7: {  	s26 =	simm.s32 $execute0_lowered;
	[smem:$0x3FD2] =	sst s25  }
0xa8: {  	s7 =	sshll.u32 s26, $0x1;
	_ =	strace $0x80000046;
	[dreg:$0x1] =	wrdreg $0xFFFFFFFF  }
0xa9: {  	s28 =	simm.s32 $_size_execute0_lowered;
	s5 =	sadd.s32 s5, s7;
	[dreg:$0x0] =	wrdreg $0x0  }
0xaa: {  	s7 =	sshll.u32 s28, $0x1;
	[dreg:$0x2] =	wrdreg s5  }
0xab: {  	[dreg:$0x3] =	wrdreg s7  }
0xac: {  	[dreg:$0x4] =	wrdreg $0xC0  }
0xad: {  	_ =	task [dreg:s9], $0x5FFFF  }
0xae: {  	[dreg:$0x1] =	wrdreg $0xFFFFFFFF  }
0xaf: {  	[dreg:$0x0] =	wrdreg $0x60  }
0xb0: {  	[dreg:$0x2] =	wrdreg s24  }
0xb1: {  	[dreg:$0x3] =	wrdreg s2  }
0xb2: {  	[dreg:$0x4] =	wrdreg s18  }
0xb3: {  	[dreg:$0x5] =	wrdreg s4  }
0xb4: {  	[dreg:$0x6] =	wrdreg $0x9  }
0xb5: {  	_ =	task.clear_ibuf [dreg:s9], $0x7FFFF;
	_ =	strace $0x90000046  }
0xb6: {  	s29 =	simm.s32 $0x9;
	_ =	strace $0x80000048  }
0xb7: {  	_ =	swait.ge [sflag:s29], $0x1  }
0xb8: {  	[sflag:s29] =	ssyncadd.s32 $0xFFFFFFFF  }
0xb9: {  	_ =	strace $0x90000048  }
0xba: {  	_ =	sfence  }
0xbb: {  	s30 =	sld [smem:$0x0];
	_ =	sdelay $0x2  }
0xbc: {  	s31 =	sshll.u32 s1, $0xD;
	s1 =	sshrl.u32 s1, $0x2  }
0xbd: {  	s3 =	sand.u32 $0x4000, s31;
	s1 =	sadd.s32 s1, s30  }
0xbe: {  	s0 =	sor.u32 s3, s0;
	s1 =	sshll.u32 s1, $0x11  }
0xbf: {  	s0 =	sor.u32 s1, s0  }
0xc0: {  	s0 =	sadd.s32 $0x8F2B, s0  }
0xc1: {  	[sflag:s0] =	ssyncadd.remote.s32 $0x1  }
0xc2: {  	_ =	sfence.sel $0xFFFF  }
0xc3: {  	[dreg:$0x0] =	wrdreg $0xFFFFFFFF;
	(pc) =	sbr.abs _section_cstart, $3  }
0xc4: {  	[dreg:$0x1] =	wrdreg $0xFFFFFFFF  }
0xc5: {  	_ =	task.clear_ibuf [dreg:s9], $0x2FFFF;
	_ =	strace $0x9FFFFFFF  }
0xc6: {  	(tm) =	ssettm $0x7FFFFFFF  }
0xc7: {  	_ =	shalt  }
tec
execute0_lowered:
.L_overlay_start_1:
0x0: {  	(tag) =	ssettag $0x1  }
0x1: {  	v9 =	vlaneseq.u32  }
0x2: {  	v2 =	vor.u32 $0x10, v9;
	v3 =	vor.u32 $0x20, v9  }
0x3: {  	s0 =	srdreg.scid;
	v4 =	vor.u32 $0x30, v9;
	v5 =	vor.u32 $0x40, v9;
	v6 =	vor.u32 $0x50, v9  }
0x4: {  	s4 =	sand.u32 $0x1, s0;
	v7 =	vor.u32 $0x60, v9;
	v8 =	vor.u32 $0x70, v9;
	v10 =	vor.u32 $0x80, v9  }
0x5: {  	s0 =	stileid.u32;
	v11 =	vor.u32 $0xB0, v9;
	v12 =	vor.u32 $0x1A0, v9;
	v13 =	vor.u32 $0x1B0, v9;
	s1 =	sshll.u32 s4, $0x4  }
0x6: {  	v14 =	vor.u32 $0x1C0, v9;
	v15 =	vor.u32 $0x1D0, v9;
	v16 =	vor.u32 $0x1E0, v9;
	s5 =	sor.u32 s0, s1  }
0x7: {  	v17 =	vor.u32 $0x1F0, v9;
	v18 =	vor.u32 $0x200, v9;
	v19 =	vor.u32 $0x210, v9;
	s1 =	smul.u32 $0x280, s5  }
0x8: {  	v20 =	vor.u32 $0x220, v9;
	v21 =	vor.u32 $0x230, v9;
	v22 =	vor.u32 $0x240, v9  }
0x9: {  	v23 =	vor.u32 $0x260, v9;
	v24 =	vor.u32 $0x270, v9;
	v25 =	vor.u32 $0x250, v9;
	s3 =	smin.u32 s1, $0x4BA0  }
0xa: {  	v1 =	vmov s1;
	v0 =	vor.u32 s3, v9;
	v2 =	vor.u32 s3, v2  }
0xb: {  	v3 =	vadd.s32 s3, v3;
	v4 =	vadd.s32 s3, v4;
	v5 =	vor.u32 s3, v5  }
0xc: {  	v6 =	vor.u32 s3, v6;
	v7 =	vadd.s32 s3, v7;
	v8 =	vadd.s32 s3, v8  }
0xd: {  	v10 =	vadd.s32 s3, v10;
	v54 =	vadd.s32 s3, v11;
	v11 =	vor.u32 $0xE0, v9  }
0xe: {  	v12 =	vadd.s32 s3, v12;
	v13 =	vadd.s32 s3, v13;
	v14 =	vadd.s32 s3, v14  }
0xf: {  	v15 =	vadd.s32 s3, v15;
	v16 =	vadd.s32 s3, v16;
	v17 =	vadd.s32 s3, v17  }
0x10: {  	v18 =	vadd.s32 s3, v18;
	v19 =	vadd.s32 s3, v19;
	v20 =	vadd.s32 s3, v20  }
0x11: {  	v21 =	vadd.s32 s3, v21;
	v22 =	vadd.s32 s3, v22;
	v23 =	vadd.s32 s3, v23  }
0x12: {  	v24 =	vadd.s32 s3, v24;
	v25 =	vadd.s32 s3, v25;
	[tilespmem:$0x1FFF0] =	vst v10;
	v10 =	vor.u32 $0x90, v9  }
0x13: {  	v57 =	vadd.s32 s3, v11;
	v11 =	vor.u32 $0x110, v9;
	vm0 =	vge.u32 v24, v1  }
0x14: {  	v24 =	vimm.s32 $0x0;
	vm12 =	vge.u32 v54, v1;
	v10 =	vadd.s32 s3, v10  }
0x15: {  	v60 =	vadd.s32 s3, v11;
	v11 =	vor.u32 $0x140, v9;
	v24 =	vsel vm0, $0xFFFFFFFF, v24  }
0x16: {  	vm0 =	vge.u32 v23, v1;
	v23 =	vimm.s32 $0x0;
	vm9 =	vge.u32 v57, v1  }
0x17: {  	[tilespmem:$0x1FFE0] =	vst v10;
	v10 =	vor.u32 $0xA0, v9;
	v63 =	vadd.s32 s3, v11;
	v11 =	vor.u32 $0x170, v9  }
0x18: {  	v23 =	vsel vm0, $0xFFFFFFFF, v23;
	vm0 =	vge.u32 v25, v1;
	vm6 =	vge.u32 v60, v1  }
0x19: {  	v10 =	vadd.s32 s3, v10;
	v51 =	vadd.s32 s3, v11;
	v11 =	vor.u32 $0x190, v9;
	[tilespmem:$0x1FED0] =	vst v23  }
0x1a: {  	v23 =	vimm.s32 $0x0;
	vm3 =	vge.u32 v63, v1;
	[tilespmem:$0x1FFD0] =	vst v10;
	v10 =	vor.u32 $0xC0, v9  }
0x1b: {  	v11 =	vadd.s32 s3, v11;
	v23 =	vsel vm0, $0xFFFFFFFF, v23;
	vm0 =	vge.u32 v22, v1  }
0x1c: {  	v22 =	vimm.s32 $0x0;
	v55 =	vadd.s32 s3, v10;
	v10 =	vor.u32 $0xD0, v9  }
0x1d: {  	v22 =	vsel vm0, $0xFFFFFFFF, v22;
	vm0 =	vge.u32 v21, v1;
	v21 =	vimm.s32 $0x0  }
0x1e: {  	v56 =	vadd.s32 s3, v10;
	v10 =	vor.u32 $0xF0, v9;
	v21 =	vsel vm0, $0xFFFFFFFF, v21  }
0x1f: {  	vm0 =	vge.u32 v20, v1;
	v20 =	vimm.s32 $0x0;
	vm11 =	vge.u32 v55, v1  }
0x20: {  	v58 =	vadd.s32 s3, v10;
	v10 =	vor.u32 $0x100, v9;
	v20 =	vsel vm0, $0xFFFFFFFF, v20  }
0x21: {  	vm0 =	vge.u32 v19, v1;
	v19 =	vimm.s32 $0x0;
	vm10 =	vge.u32 v56, v1  }
0x22: {  	v59 =	vadd.s32 s3, v10;
	v10 =	vor.u32 $0x120, v9;
	v19 =	vsel vm0, $0xFFFFFFFF, v19  }
0x23: {  	vm0 =	vge.u32 v18, v1;
	v18 =	vimm.s32 $0x0;
	vm8 =	vge.u32 v58, v1  }
0x24: {  	v61 =	vadd.s32 s3, v10;
	v10 =	vor.u32 $0x130, v9;
	v18 =	vsel vm0, $0xFFFFFFFF, v18  }
0x25: {  	vm0 =	vge.u32 v17, v1;
	v17 =	vimm.s32 $0x0;
	vm7 =	vge.u32 v59, v1  }
0x26: {  	v62 =	vadd.s32 s3, v10;
	v10 =	vor.u32 $0x150, v9;
	v17 =	vsel vm0, $0xFFFFFFFF, v17  }
0x27: {  	vm0 =	vge.u32 v16, v1;
	v16 =	vimm.s32 $0x0;
	vm5 =	vge.u32 v61, v1  }
0x28: {  	[tilespmem:$0x1FEC0] =	vst v24;
	v53 =	vadd.s32 s3, v10;
	v10 =	vor.u32 $0x160, v9;
	v16 =	vsel vm0, $0xFFFFFFFF, v16  }
0x29: {  	[tilespmem:$0x1FEF0] =	vst v22;
	vm0 =	vge.u32 v15, v1;
	v15 =	vimm.s32 $0x0;
	vm4 =	vge.u32 v62, v1  }
0x2a: {  	[tilespmem:$0x1FF00] =	vst v21;
	v52 =	vadd.s32 s3, v10;
	v10 =	vor.u32 $0x180, v9;
	v15 =	vsel vm0, $0xFFFFFFFF, v15  }
0x2b: {  	[tilespmem:$0x1FF20] =	vst v19;
	vm0 =	vge.u32 v14, v1;
	v14 =	vimm.s32 $0x0;
	v9 =	vmul.u32 $0x80, v9  }
0x2c: {  	[tilespmem:$0x1FF30] =	vst v18;
	vm2 =	vge.u32 v53, v1;
	v10 =	vadd.s32 s3, v10;
	v14 =	vsel vm0, $0xFFFFFFFF, v14  }
0x2d: {  	[tilespmem:$0x1FF50] =	vst v16;
	vm0 =	vge.u32 v13, v1;
	v13 =	vimm.s32 $0x0;
	vm1 =	vge.u32 v52, v1  }
0x2e: {  	[tilespmem:$0x1FF60] =	vst v15;
	v13 =	vsel vm0, $0xFFFFFFFF, v13;
	vm0 =	vge.u32 v12, v1;
	v12 =	vimm.s32 $0x0  }
0x2f: {  	[tilespmem:$0x1FF70] =	vst v14;
	v14 =	vor.u32 $0x1800, v9;
	v15 =	vor.u32 $0x2000, v9;
	v16 =	vor.u32 $0x2800, v9  }
0x30: {  	[tilespmem:$0x1FF40] =	vst v17;
	v17 =	vor.u32 $0x3000, v9;
	v18 =	vor.u32 $0x3800, v9;
	v19 =	vor.u32 $0x4000, v9  }
0x31: {  	[tilespmem:$0x1FF10] =	vst v20;
	v20 =	vor.u32 $0x4800, v9;
	v21 =	vor.u32 $0x5000, v9;
	v22 =	vor.u32 $0x5800, v9  }
0x32: {  	[tilespmem:$0x1FEE0] =	vst v23;
	v23 =	vor.u32 $0x6000, v9;
	v24 =	vor.u32 $0x6800, v9;
	v25 =	vor.u32 $0x7000, v9  }
0x33: {  	s6 =	rddreg [dreg:$0x0];
	v26 =	vor.u32 $0x7800, v9;
	v27 =	vor.u32 $0x8000, v9;
	v28 =	vor.u32 $0x8800, v9  }
0x34: {  	s7 =	rddreg [dreg:$0x1];
	[tilespmem:$0x1FF80] =	vst v13;
	v12 =	vsel vm0, $0xFFFFFFFF, v12;
	vm0 =	vge.u32 v11, v1;
	v11 =	vimm.s32 $0x0  }
0x35: {  	s8 =	rddreg [dreg:$0x2];
	[tilespmem:$0x1FF90] =	vst v12;
	v11 =	vsel vm0, $0xFFFFFFFF, v11;
	vm0 =	vge.u32 v10, v1;
	v10 =	vimm.s32 $0x0  }
0x36: {  	s9 =	rddreg [dreg:$0x3];
	s2 =	simm.s32 $0x0;
	s15 =	simm.s32 $0x14780;
	v29 =	vor.u32 $0x9000, v9;
	v30 =	vor.u32 $0x9800, v9;
	[tilespmem:$0x1FFA0] =	vst v11;
	v10 =	vsel vm0, $0xFFFFFFFF, v10  }
0x37: {  	s14 =	simm.s32 $0x1;
	s16 =	simm.s32 $0x14800;
	[smem:$0x7FF] =	sst s2;
	v31 =	vor.u32 $0xA000, v9;
	v32 =	vor.u32 $0xA800, v9;
	v33 =	vor.u32 $0xB000, v9;
	[tilespmem:$0x1FFB0] =	vst v10  }
0x38: {  	s17 =	simm.s32 $0x14880;
	s1 =	rddreg [dreg:$0x4];
	v34 =	vor.u32 $0xB800, v9;
	v35 =	vor.u32 $0xC000, v9;
	v36 =	vor.u32 $0xC800, v9;
	_ =	strace $0x80000047  }
0x39: {  	s11 =	sshll.u32 s0, $0x4;
	s4 =	ssub.s32 $0x2, s4;
	s5 =	sshll.u32 s5, $0x4;
	v37 =	vor.u32 $0xD000, v9;
	v38 =	vor.u32 $0xD800, v9;
	v39 =	vor.u32 $0xE000, v9;
	v61 =	vld [tilespmem:$0x1FFD0]  }
0x3a: {  	s11 =	sand.u32 $0x70, s11;
	s31 =	sshrl.u32 s4, $0x1;
	s5 =	sand.u32 $0x180, s5;
	v40 =	vor.u32 $0xE800, v9;
	v41 =	vor.u32 $0xF000, v9;
	v42 =	vor.u32 $0xF800, v9;
	v62 =	vld [tilespmem:$0x1FFE0]  }
0x3b: {  	s18 =	simm.s32 $0x2;
	s5 =	sor.u32 s11, s5;
	s11 =	ssub.s32 s4, s31;
	v43 =	vor.u32 $0x10000, v9;
	v44 =	vor.u32 $0x10800, v9;
	v45 =	vor.u32 $0x11000, v9;
	v63 =	vld [tilespmem:$0x1FFF0]  }
0x3c: {  	s10 =	sshll.u32 s3, $0x4;
	s12 =	sshrl.u32 s3, $0x3;
	s13 =	sadd.s32 s5, s6;
	v46 =	vor.u32 $0x11800, v9;
	v47 =	vor.u32 $0x12000, v9;
	v48 =	vor.u32 $0x12800, v9  }
0x3d: {  	s10 =	sadd.s32 s10, s6;
	s4 =	sadd.s32 s9, s12;
	s5 =	sadd.s32 s8, s12;
	v49 =	vor.u32 $0x13000, v9;
	v50 =	vor.u32 $0x13800, v9;
	v13 =	vor.u32 $0x1000, v9  }
0x3e: {  	s8 =	sadd.s32 $0x4EA00, s13;
	s9 =	sadd.s32 $0x4EC00, s13;
	s6 =	sadd.s32 $0x600, s10;
	v12 =	vor.u32 $0x800, v9;
	vm0 =	vge.u32 v51, v1;
	v51 =	vimm.s32 $0x0  }
0x3f: {  	s10 =	smax.u32 s11, $0x1;
	s11 =	simm.s32 $0x500;
	s3 =	sadd.s32 s7, s12;
	v11 =	vimm.f32 $1.000000000e+00;
	v10 =	vimm.f32 $0.0e+00;
	v51 =	vsel vm0, $0xFFFFFFFF, v51  }
0x40: {  	s7 =	sadd.s32 $0x4E800, s13;
	s12 =	simm.s32 $0x280;
	s13 =	simm.s32 $0x780;
	[tilespmem:$0x1FFC0] =	vst v51;
	vm13 =	vge.u32 v61, v1;
	vm14 =	vge.u32 v62, v1;
	vm15 =	vge.u32 v63, v1  }
.LBB2_1:
0x41: {  	[tilespmem:s2], [sflag:$0x1] =	stream.linear.gather [hbm4b:s3+s2], $0x280, $0x38;
	[tilespmem:$0x14900] =	vst v63  }
0x42: {  	_ = 	snop  }
0x43: {  	[tilespmem:s11], [sflag:$0x1] =	stream.linear.gather [hbm4b:s4+s2], $0x280, $0x38;
	[tilespmem:$0x14900] =	vst v63  }
0x44: {  	_ = 	snop  }
0x45: {  	[tilespmem:s12], [sflag:$0x1] =	stream.linear.gather [hbm4b:s5+s2], $0x280, $0x38;
	[tilespmem:$0x14900] =	vst v63  }
0x46: {  	_ = 	snop  }
0x47: {  	[tilespmem:s13], [sflag:$0x1] =	stream.linear.gather [hbm4b:s6+s2], $0x14000, $0x38;
	[tilespmem:$0x14900] =	vst v63  }
0x48: {  	_ =	swait.ge [sflag:s14], $0x280  }
0x49: {  	[sflag:s14] =	ssyncset.done $0x0  }
0x4a: {  	[sflag:s14] =	ssyncadd.s32 $0xFFFFFD80  }
0x4b: {  	_ =	swait.ge [sflag:s14], $0x280  }
0x4c: {  	[sflag:s14] =	ssyncset.done $0x0  }
0x4d: {  	[sflag:s14] =	ssyncadd.s32 $0xFFFFFD80  }
0x4e: {  	_ =	swait.ge [sflag:s14], $0x280  }
0x4f: {  	[sflag:s14] =	ssyncset.done $0x0  }
0x50: {  	[sflag:s14] =	ssyncadd.s32 $0xFFFFFD80  }
0x51: {  	_ =	swait.ge [sflag:s14], $0x14000  }
0x52: {  	[sflag:s14] =	ssyncset.done $0x0  }
0x53: {  	[sflag:s14] =	ssyncadd.s32 $0xFFFEC000  }
0x54: {  	[tilespmem:$0x14780] =	vst v10  }
0x55: {  	[tilespmem:$0x14800] =	vst v10  }
0x56: {  	[tilespmem:$0x14880] =	vst v10  }
0x57: {  	[tilespmem:$0x14790] =	vst v10  }
0x58: {  	[tilespmem:$0x14810] =	vst v10  }
0x59: {  	[tilespmem:$0x14890] =	vst v10  }
0x5a: {  	[tilespmem:$0x147A0] =	vst v10  }
0x5b: {  	[tilespmem:$0x14820] =	vst v10  }
0x5c: {  	[tilespmem:$0x148A0] =	vst v10  }
0x5d: {  	[tilespmem:$0x147B0] =	vst v10  }
0x5e: {  	[tilespmem:$0x14830] =	vst v10  }
0x5f: {  	[tilespmem:$0x148B0] =	vst v10;
	v51 =	vld [tilespmem:$0x0]  }
0x60: {  	[tilespmem:$0x147C0] =	vst v10  }
0x61: {  	[tilespmem:$0x14840] =	vst v10  }
0x62: {  	[tilespmem:$0x148C0] =	vst v10  }
0x63: {  	[tilespmem:$0x147D0] =	vst v10  }
0x64: {  	[tilespmem:$0x14850] =	vst v10;
	vm0 =	vgt.s32 v51, $0x0  }
0x65: {  	[tilespmem:$0x148D0] =	vst v10;
	v51 =	vnsel vm0, $0x0, v51  }
0x66: {  	[tilespmem:$0x147E0] =	vst v10;
	v51 =	vmin.u32 v51, $0x50  }
0x67: {  	[tilespmem:$0x14860] =	vst v10;
	v51 =	vor.u32 v9, v51  }
0x68: {  	[tilespmem:$0x148E0] =	vst v10  }
0x69: {  	[tilespmem:$0x147F0] =	vst v10  }
0x6a: {  	[tilespmem:$0x14870] =	vst v10  }
0x6b: {  	[tilespmem:$0x148F0] =	vst v10;
	v52 =	vld [tilespmem:$0x500]  }
0x6c: {  	v51 =	vld.idx.msk [tilespmem:v51+s13+$0x0], $0xffff  }
0x6d: {  	vm0 =	vge.u32 v0, v1;
	_ =	sdelay $0x2  }
0x6e: {  	v53 =	vld [tilespmem:$0x280]  }
0x6f: {  	v51 =	vmax.f32 v51, $9.999999710e-10  }
0x70: {  	v51 =	vmin.f32 v51, $1.000000000e+04  }
0x71: {  	[tilespmem:v52+s15+$0x0] =	vst.idx.add.f32.msk vm0, v51  }
0x72: {  	[tilespmem:v52+s16+$0x0] =	vst.idx.add.f32.msk vm0, v11  }
0x73: {  	[tilespmem:v52+s17+$0x0] =	vst.idx.add.f32.msk vm0, v53  }
0x74: {  	v51 =	vld [tilespmem:$0x10];
	_ =	sdelay $0x4  }
0x75: {  	vm0 =	vgt.s32 v51, $0x0  }
0x76: {  	v51 =	vnsel vm0, $0x0, v51  }
0x77: {  	v51 =	vmin.u32 v51, $0x50  }
0x78: {  	v51 =	vor.u32 v12, v51;
	_ =	sdelay $0x3  }
0x79: {  	v52 =	vld [tilespmem:$0x510]  }
0x7a: {  	v51 =	vld.idx.msk [tilespmem:v51+s13+$0x0], $0xffff  }
0x7b: {  	vm0 =	vge.u32 v2, v1;
	_ =	sdelay $0x2  }
0x7c: {  	v53 =	vld [tilespmem:$0x290]  }
0x7d: {  	v51 =	vmax.f32 v51, $9.999999710e-10  }
0x7e: {  	v51 =	vmin.f32 v51, $1.000000000e+04  }
0x7f: {  	[tilespmem:v52+s15+$0x0] =	vst.idx.add.f32.msk vm0, v51  }
0x80: {  	[tilespmem:v52+s16+$0x0] =	vst.idx.add.f32.msk vm0, v11  }
0x81: {  	[tilespmem:v52+s17+$0x0] =	vst.idx.add.f32.msk vm0, v53  }
0x82: {  	v51 =	vld [tilespmem:$0x20];
	_ =	sdelay $0x4  }
0x83: {  	vm0 =	vgt.s32 v51, $0x0  }
0x84: {  	v51 =	vnsel vm0, $0x0, v51  }
0x85: {  	v51 =	vmin.u32 v51, $0x50  }
0x86: {  	v51 =	vor.u32 v13, v51;
	_ =	sdelay $0x3  }
0x87: {  	v52 =	vld [tilespmem:$0x520]  }
0x88: {  	v51 =	vld.idx.msk [tilespmem:v51+s13+$0x0], $0xffff  }
0x89: {  	vm0 =	vge.u32 v3, v1;
	_ =	sdelay $0x2  }
0x8a: {  	v53 =	vld [tilespmem:$0x2A0]  }
0x8b: {  	v51 =	vmax.f32 v51, $9.999999710e-10  }
0x8c: {  	v51 =	vmin.f32 v51, $1.000000000e+04  }
0x8d: {  	[tilespmem:v52+s15+$0x0] =	vst.idx.add.f32.msk vm0, v51  }
0x8e: {  	[tilespmem:v52+s16+$0x0] =	vst.idx.add.f32.msk vm0, v11  }
0x8f: {  	[tilespmem:v52+s17+$0x0] =	vst.idx.add.f32.msk vm0, v53  }
0x90: {  	v51 =	vld [tilespmem:$0x30];
	_ =	sdelay $0x4  }
0x91: {  	vm0 =	vgt.s32 v51, $0x0  }
0x92: {  	v51 =	vnsel vm0, $0x0, v51  }
0x93: {  	v51 =	vmin.u32 v51, $0x50  }
0x94: {  	v51 =	vor.u32 v14, v51;
	_ =	sdelay $0x3  }
0x95: {  	v52 =	vld [tilespmem:$0x530]  }
0x96: {  	v51 =	vld.idx.msk [tilespmem:v51+s13+$0x0], $0xffff  }
0x97: {  	vm0 =	vge.u32 v4, v1;
	_ =	sdelay $0x2  }
0x98: {  	v53 =	vld [tilespmem:$0x2B0]  }
0x99: {  	v51 =	vmax.f32 v51, $9.999999710e-10  }
0x9a: {  	v51 =	vmin.f32 v51, $1.000000000e+04  }
0x9b: {  	[tilespmem:v52+s15+$0x0] =	vst.idx.add.f32.msk vm0, v51  }
0x9c: {  	[tilespmem:v52+s16+$0x0] =	vst.idx.add.f32.msk vm0, v11  }
0x9d: {  	[tilespmem:v52+s17+$0x0] =	vst.idx.add.f32.msk vm0, v53  }
0x9e: {  	v51 =	vld [tilespmem:$0x40];
	_ =	sdelay $0x4  }
0x9f: {  	vm0 =	vgt.s32 v51, $0x0  }
0xa0: {  	v51 =	vnsel vm0, $0x0, v51  }
0xa1: {  	v51 =	vmin.u32 v51, $0x50  }
0xa2: {  	v51 =	vor.u32 v15, v51;
	_ =	sdelay $0x3  }
0xa3: {  	v52 =	vld [tilespmem:$0x540]  }
0xa4: {  	v51 =	vld.idx.msk [tilespmem:v51+s13+$0x0], $0xffff  }
0xa5: {  	vm0 =	vge.u32 v5, v1;
	_ =	sdelay $0x2  }
0xa6: {  	v53 =	vld [tilespmem:$0x2C0]  }
0xa7: {  	v51 =	vmax.f32 v51, $9.999999710e-10  }
0xa8: {  	v51 =	vmin.f32 v51, $1.000000000e+04  }
0xa9: {  	[tilespmem:v52+s15+$0x0] =	vst.idx.add.f32.msk vm0, v51  }
0xaa: {  	[tilespmem:v52+s16+$0x0] =	vst.idx.add.f32.msk vm0, v11  }
0xab: {  	[tilespmem:v52+s17+$0x0] =	vst.idx.add.f32.msk vm0, v53  }
0xac: {  	v51 =	vld [tilespmem:$0x50];
	_ =	sdelay $0x4  }
0xad: {  	vm0 =	vgt.s32 v51, $0x0  }
0xae: {  	v51 =	vnsel vm0, $0x0, v51  }
0xaf: {  	v51 =	vmin.u32 v51, $0x50  }
0xb0: {  	v51 =	vor.u32 v16, v51;
	_ =	sdelay $0x3  }
0xb1: {  	v52 =	vld [tilespmem:$0x550]  }
0xb2: {  	v51 =	vld.idx.msk [tilespmem:v51+s13+$0x0], $0xffff  }
0xb3: {  	vm0 =	vge.u32 v6, v1;
	_ =	sdelay $0x2  }
0xb4: {  	v53 =	vld [tilespmem:$0x2D0]  }
0xb5: {  	v51 =	vmax.f32 v51, $9.999999710e-10  }
0xb6: {  	v51 =	vmin.f32 v51, $1.000000000e+04  }
0xb7: {  	[tilespmem:v52+s15+$0x0] =	vst.idx.add.f32.msk vm0, v51  }
0xb8: {  	[tilespmem:v52+s16+$0x0] =	vst.idx.add.f32.msk vm0, v11  }
0xb9: {  	[tilespmem:v52+s17+$0x0] =	vst.idx.add.f32.msk vm0, v53  }
0xba: {  	v51 =	vld [tilespmem:$0x60];
	_ =	sdelay $0x4  }
0xbb: {  	vm0 =	vgt.s32 v51, $0x0  }
0xbc: {  	v51 =	vnsel vm0, $0x0, v51  }
0xbd: {  	v51 =	vmin.u32 v51, $0x50  }
0xbe: {  	v51 =	vor.u32 v17, v51;
	_ =	sdelay $0x3  }
0xbf: {  	v52 =	vld [tilespmem:$0x560]  }
0xc0: {  	v51 =	vld.idx.msk [tilespmem:v51+s13+$0x0], $0xffff  }
0xc1: {  	vm0 =	vge.u32 v7, v1;
	_ =	sdelay $0x2  }
0xc2: {  	v53 =	vld [tilespmem:$0x2E0]  }
0xc3: {  	v51 =	vmax.f32 v51, $9.999999710e-10  }
0xc4: {  	v51 =	vmin.f32 v51, $1.000000000e+04  }
0xc5: {  	[tilespmem:v52+s15+$0x0] =	vst.idx.add.f32.msk vm0, v51  }
0xc6: {  	[tilespmem:v52+s16+$0x0] =	vst.idx.add.f32.msk vm0, v11  }
0xc7: {  	[tilespmem:v52+s17+$0x0] =	vst.idx.add.f32.msk vm0, v53  }
0xc8: {  	v51 =	vld [tilespmem:$0x70];
	_ =	sdelay $0x4  }
0xc9: {  	vm0 =	vgt.s32 v51, $0x0  }
0xca: {  	v51 =	vnsel vm0, $0x0, v51  }
0xcb: {  	v51 =	vmin.u32 v51, $0x50  }
0xcc: {  	v51 =	vor.u32 v18, v51;
	_ =	sdelay $0x3  }
0xcd: {  	v52 =	vld [tilespmem:$0x570]  }
0xce: {  	v51 =	vld.idx.msk [tilespmem:v51+s13+$0x0], $0xffff  }
0xcf: {  	vm0 =	vge.u32 v8, v1;
	_ =	sdelay $0x2  }
0xd0: {  	v53 =	vld [tilespmem:$0x2F0]  }
0xd1: {  	v51 =	vmax.f32 v51, $9.999999710e-10  }
0xd2: {  	v51 =	vmin.f32 v51, $1.000000000e+04  }
0xd3: {  	[tilespmem:v52+s15+$0x0] =	vst.idx.add.f32.msk vm0, v51  }
0xd4: {  	[tilespmem:v52+s16+$0x0] =	vst.idx.add.f32.msk vm0, v11  }
0xd5: {  	[tilespmem:v52+s17+$0x0] =	vst.idx.add.f32.msk vm0, v53  }
0xd6: {  	v51 =	vld [tilespmem:$0x80];
	_ =	sdelay $0x4  }
0xd7: {  	vm0 =	vgt.s32 v51, $0x0  }
0xd8: {  	v51 =	vnsel vm0, $0x0, v51  }
0xd9: {  	v51 =	vmin.u32 v51, $0x50  }
0xda: {  	v51 =	vor.u32 v19, v51;
	_ =	sdelay $0x3  }
0xdb: {  	v52 =	vld [tilespmem:$0x580]  }
0xdc: {  	v51 =	vld.idx.msk [tilespmem:v51+s13+$0x0], $0xffff;
	_ =	sdelay $0x3  }
0xdd: {  	v53 =	vld [tilespmem:$0x300]  }
0xde: {  	v51 =	vmax.f32 v51, $9.999999710e-10  }
0xdf: {  	v51 =	vmin.f32 v51, $1.000000000e+04  }
0xe0: {  	[tilespmem:v52+s15+$0x0] =	vst.idx.add.f32.msk vm15, v51  }
0xe1: {  	[tilespmem:v52+s16+$0x0] =	vst.idx.add.f32.msk vm15, v11  }
0xe2: {  	[tilespmem:v52+s17+$0x0] =	vst.idx.add.f32.msk vm15, v53  }
0xe3: {  	v51 =	vld [tilespmem:$0x90];
	_ =	sdelay $0x4  }
0xe4: {  	vm0 =	vgt.s32 v51, $0x0  }
0xe5: {  	v51 =	vnsel vm0, $0x0, v51  }
0xe6: {  	v51 =	vmin.u32 v51, $0x50  }
0xe7: {  	v51 =	vor.u32 v20, v51;
	_ =	sdelay $0x3  }
0xe8: {  	v52 =	vld [tilespmem:$0x590]  }
0xe9: {  	v51 =	vld.idx.msk [tilespmem:v51+s13+$0x0], $0xffff;
	_ =	sdelay $0x3  }
0xea: {  	v53 =	vld [tilespmem:$0x310]  }
0xeb: {  	v51 =	vmax.f32 v51, $9.999999710e-10  }
0xec: {  	v51 =	vmin.f32 v51, $1.000000000e+04  }
0xed: {  	[tilespmem:v52+s15+$0x0] =	vst.idx.add.f32.msk vm14, v51  }
0xee: {  	[tilespmem:v52+s16+$0x0] =	vst.idx.add.f32.msk vm14, v11  }
0xef: {  	[tilespmem:v52+s17+$0x0] =	vst.idx.add.f32.msk vm14, v53  }
0xf0: {  	v51 =	vld [tilespmem:$0xA0];
	_ =	sdelay $0x4  }
0xf1: {  	vm0 =	vgt.s32 v51, $0x0  }
0xf2: {  	v51 =	vnsel vm0, $0x0, v51  }
0xf3: {  	v51 =	vmin.u32 v51, $0x50  }
0xf4: {  	v51 =	vor.u32 v21, v51;
	_ =	sdelay $0x3  }
0xf5: {  	v52 =	vld [tilespmem:$0x5A0]  }
0xf6: {  	v51 =	vld.idx.msk [tilespmem:v51+s13+$0x0], $0xffff;
	_ =	sdelay $0x3  }
0xf7: {  	v53 =	vld [tilespmem:$0x320]  }
0xf8: {  	v51 =	vmax.f32 v51, $9.999999710e-10  }
0xf9: {  	v51 =	vmin.f32 v51, $1.000000000e+04  }
0xfa: {  	[tilespmem:v52+s15+$0x0] =	vst.idx.add.f32.msk vm13, v51  }
0xfb: {  	[tilespmem:v52+s16+$0x0] =	vst.idx.add.f32.msk vm13, v11  }
0xfc: {  	[tilespmem:v52+s17+$0x0] =	vst.idx.add.f32.msk vm13, v53  }
0xfd: {  	v51 =	vld [tilespmem:$0xB0];
	_ =	sdelay $0x4  }
0xfe: {  	vm0 =	vgt.s32 v51, $0x0  }
0xff: {  	v51 =	vnsel vm0, $0x0, v51  }
0x100: {  	v51 =	vmin.u32 v51, $0x50  }
0x101: {  	v51 =	vor.u32 v22, v51;
	_ =	sdelay $0x3  }
0x102: {  	v52 =	vld [tilespmem:$0x5B0]  }
0x103: {  	v51 =	vld.idx.msk [tilespmem:v51+s13+$0x0], $0xffff;
	_ =	sdelay $0x3  }
0x104: {  	v53 =	vld [tilespmem:$0x330]  }
0x105: {  	v51 =	vmax.f32 v51, $9.999999710e-10  }
0x106: {  	v51 =	vmin.f32 v51, $1.000000000e+04  }
0x107: {  	[tilespmem:v52+s15+$0x0] =	vst.idx.add.f32.msk vm12, v51  }
0x108: {  	[tilespmem:v52+s16+$0x0] =	vst.idx.add.f32.msk vm12, v11  }
0x109: {  	[tilespmem:v52+s17+$0x0] =	vst.idx.add.f32.msk vm12, v53  }
0x10a: {  	v51 =	vld [tilespmem:$0xC0];
	_ =	sdelay $0x4  }
0x10b: {  	vm0 =	vgt.s32 v51, $0x0  }
0x10c: {  	v51 =	vnsel vm0, $0x0, v51  }
0x10d: {  	v51 =	vmin.u32 v51, $0x50  }
0x10e: {  	v51 =	vor.u32 v23, v51;
	_ =	sdelay $0x3  }
0x10f: {  	v52 =	vld [tilespmem:$0x5C0]  }
0x110: {  	v51 =	vld.idx.msk [tilespmem:v51+s13+$0x0], $0xffff;
	_ =	sdelay $0x3  }
0x111: {  	v53 =	vld [tilespmem:$0x340]  }
0x112: {  	v51 =	vmax.f32 v51, $9.999999710e-10  }
0x113: {  	v51 =	vmin.f32 v51, $1.000000000e+04  }
0x114: {  	[tilespmem:v52+s15+$0x0] =	vst.idx.add.f32.msk vm11, v51  }
0x115: {  	[tilespmem:v52+s16+$0x0] =	vst.idx.add.f32.msk vm11, v11  }
0x116: {  	[tilespmem:v52+s17+$0x0] =	vst.idx.add.f32.msk vm11, v53  }
0x117: {  	v51 =	vld [tilespmem:$0xD0];
	_ =	sdelay $0x4  }
0x118: {  	vm0 =	vgt.s32 v51, $0x0  }
0x119: {  	v51 =	vnsel vm0, $0x0, v51  }
0x11a: {  	v51 =	vmin.u32 v51, $0x50  }
0x11b: {  	v51 =	vor.u32 v24, v51;
	_ =	sdelay $0x3  }
0x11c: {  	v52 =	vld [tilespmem:$0x5D0]  }
0x11d: {  	v51 =	vld.idx.msk [tilespmem:v51+s13+$0x0], $0xffff;
	_ =	sdelay $0x3  }
0x11e: {  	v53 =	vld [tilespmem:$0x350]  }
0x11f: {  	v51 =	vmax.f32 v51, $9.999999710e-10  }
0x120: {  	v51 =	vmin.f32 v51, $1.000000000e+04  }
0x121: {  	[tilespmem:v52+s15+$0x0] =	vst.idx.add.f32.msk vm10, v51  }
0x122: {  	[tilespmem:v52+s16+$0x0] =	vst.idx.add.f32.msk vm10, v11  }
0x123: {  	[tilespmem:v52+s17+$0x0] =	vst.idx.add.f32.msk vm10, v53  }
0x124: {  	v51 =	vld [tilespmem:$0xE0];
	_ =	sdelay $0x4  }
0x125: {  	vm0 =	vgt.s32 v51, $0x0  }
0x126: {  	v51 =	vnsel vm0, $0x0, v51  }
0x127: {  	v51 =	vmin.u32 v51, $0x50  }
0x128: {  	v51 =	vor.u32 v25, v51;
	_ =	sdelay $0x3  }
0x129: {  	v52 =	vld [tilespmem:$0x5E0]  }
0x12a: {  	v51 =	vld.idx.msk [tilespmem:v51+s13+$0x0], $0xffff;
	_ =	sdelay $0x3  }
0x12b: {  	v53 =	vld [tilespmem:$0x360]  }
0x12c: {  	v51 =	vmax.f32 v51, $9.999999710e-10  }
0x12d: {  	v51 =	vmin.f32 v51, $1.000000000e+04  }
0x12e: {  	[tilespmem:v52+s15+$0x0] =	vst.idx.add.f32.msk vm9, v51  }
0x12f: {  	[tilespmem:v52+s16+$0x0] =	vst.idx.add.f32.msk vm9, v11  }
0x130: {  	[tilespmem:v52+s17+$0x0] =	vst.idx.add.f32.msk vm9, v53  }
0x131: {  	v51 =	vld [tilespmem:$0xF0];
	_ =	sdelay $0x4  }
0x132: {  	vm0 =	vgt.s32 v51, $0x0  }
0x133: {  	v51 =	vnsel vm0, $0x0, v51  }
0x134: {  	v51 =	vmin.u32 v51, $0x50  }
0x135: {  	v51 =	vor.u32 v26, v51;
	_ =	sdelay $0x3  }
0x136: {  	v52 =	vld [tilespmem:$0x5F0]  }
0x137: {  	v51 =	vld.idx.msk [tilespmem:v51+s13+$0x0], $0xffff;
	_ =	sdelay $0x3  }
0x138: {  	v53 =	vld [tilespmem:$0x370]  }
0x139: {  	v51 =	vmax.f32 v51, $9.999999710e-10  }
0x13a: {  	v51 =	vmin.f32 v51, $1.000000000e+04  }
0x13b: {  	[tilespmem:v52+s15+$0x0] =	vst.idx.add.f32.msk vm8, v51  }
0x13c: {  	[tilespmem:v52+s16+$0x0] =	vst.idx.add.f32.msk vm8, v11  }
0x13d: {  	[tilespmem:v52+s17+$0x0] =	vst.idx.add.f32.msk vm8, v53  }
0x13e: {  	v51 =	vld [tilespmem:$0x100];
	_ =	sdelay $0x4  }
0x13f: {  	vm0 =	vgt.s32 v51, $0x0  }
0x140: {  	v51 =	vnsel vm0, $0x0, v51  }
0x141: {  	v51 =	vmin.u32 v51, $0x50  }
0x142: {  	v51 =	vor.u32 v27, v51;
	_ =	sdelay $0x3  }
0x143: {  	v52 =	vld [tilespmem:$0x600]  }
0x144: {  	v51 =	vld.idx.msk [tilespmem:v51+s13+$0x0], $0xffff;
	_ =	sdelay $0x3  }
0x145: {  	v53 =	vld [tilespmem:$0x380]  }
0x146: {  	v51 =	vmax.f32 v51, $9.999999710e-10  }
0x147: {  	v51 =	vmin.f32 v51, $1.000000000e+04  }
0x148: {  	[tilespmem:v52+s15+$0x0] =	vst.idx.add.f32.msk vm7, v51  }
0x149: {  	[tilespmem:v52+s16+$0x0] =	vst.idx.add.f32.msk vm7, v11  }
0x14a: {  	[tilespmem:v52+s17+$0x0] =	vst.idx.add.f32.msk vm7, v53  }
0x14b: {  	v51 =	vld [tilespmem:$0x110];
	_ =	sdelay $0x4  }
0x14c: {  	vm0 =	vgt.s32 v51, $0x0  }
0x14d: {  	v51 =	vnsel vm0, $0x0, v51  }
0x14e: {  	v51 =	vmin.u32 v51, $0x50  }
0x14f: {  	v51 =	vor.u32 v28, v51;
	_ =	sdelay $0x3  }
0x150: {  	v52 =	vld [tilespmem:$0x610]  }
0x151: {  	v51 =	vld.idx.msk [tilespmem:v51+s13+$0x0], $0xffff;
	_ =	sdelay $0x3  }
0x152: {  	v53 =	vld [tilespmem:$0x390]  }
0x153: {  	v51 =	vmax.f32 v51, $9.999999710e-10  }
0x154: {  	v51 =	vmin.f32 v51, $1.000000000e+04  }
0x155: {  	[tilespmem:v52+s15+$0x0] =	vst.idx.add.f32.msk vm6, v51  }
0x156: {  	[tilespmem:v52+s16+$0x0] =	vst.idx.add.f32.msk vm6, v11  }
0x157: {  	[tilespmem:v52+s17+$0x0] =	vst.idx.add.f32.msk vm6, v53  }
0x158: {  	v51 =	vld [tilespmem:$0x120];
	_ =	sdelay $0x4  }
0x159: {  	vm0 =	vgt.s32 v51, $0x0  }
0x15a: {  	v51 =	vnsel vm0, $0x0, v51  }
0x15b: {  	v51 =	vmin.u32 v51, $0x50  }
0x15c: {  	v51 =	vor.u32 v29, v51;
	_ =	sdelay $0x3  }
0x15d: {  	v52 =	vld [tilespmem:$0x620]  }
0x15e: {  	v51 =	vld.idx.msk [tilespmem:v51+s13+$0x0], $0xffff;
	_ =	sdelay $0x3  }
0x15f: {  	v53 =	vld [tilespmem:$0x3A0]  }
0x160: {  	v51 =	vmax.f32 v51, $9.999999710e-10  }
0x161: {  	v51 =	vmin.f32 v51, $1.000000000e+04  }
0x162: {  	[tilespmem:v52+s15+$0x0] =	vst.idx.add.f32.msk vm5, v51  }
0x163: {  	[tilespmem:v52+s16+$0x0] =	vst.idx.add.f32.msk vm5, v11  }
0x164: {  	[tilespmem:v52+s17+$0x0] =	vst.idx.add.f32.msk vm5, v53  }
0x165: {  	v51 =	vld [tilespmem:$0x130];
	_ =	sdelay $0x4  }
0x166: {  	vm0 =	vgt.s32 v51, $0x0  }
0x167: {  	v51 =	vnsel vm0, $0x0, v51  }
0x168: {  	v51 =	vmin.u32 v51, $0x50  }
0x169: {  	v51 =	vor.u32 v30, v51;
	_ =	sdelay $0x3  }
0x16a: {  	v52 =	vld [tilespmem:$0x630]  }
0x16b: {  	v51 =	vld.idx.msk [tilespmem:v51+s13+$0x0], $0xffff;
	_ =	sdelay $0x3  }
0x16c: {  	v53 =	vld [tilespmem:$0x3B0]  }
0x16d: {  	v51 =	vmax.f32 v51, $9.999999710e-10  }
0x16e: {  	v51 =	vmin.f32 v51, $1.000000000e+04  }
0x16f: {  	[tilespmem:v52+s15+$0x0] =	vst.idx.add.f32.msk vm4, v51  }
0x170: {  	[tilespmem:v52+s16+$0x0] =	vst.idx.add.f32.msk vm4, v11  }
0x171: {  	[tilespmem:v52+s17+$0x0] =	vst.idx.add.f32.msk vm4, v53  }
0x172: {  	v51 =	vld [tilespmem:$0x140];
	_ =	sdelay $0x4  }
0x173: {  	vm0 =	vgt.s32 v51, $0x0  }
0x174: {  	v51 =	vnsel vm0, $0x0, v51  }
0x175: {  	v51 =	vmin.u32 v51, $0x50  }
0x176: {  	v51 =	vor.u32 v31, v51;
	_ =	sdelay $0x3  }
0x177: {  	v52 =	vld [tilespmem:$0x640]  }
0x178: {  	v51 =	vld.idx.msk [tilespmem:v51+s13+$0x0], $0xffff;
	_ =	sdelay $0x3  }
0x179: {  	v53 =	vld [tilespmem:$0x3C0]  }
0x17a: {  	v51 =	vmax.f32 v51, $9.999999710e-10  }
0x17b: {  	v51 =	vmin.f32 v51, $1.000000000e+04  }
0x17c: {  	[tilespmem:v52+s15+$0x0] =	vst.idx.add.f32.msk vm3, v51  }
0x17d: {  	[tilespmem:v52+s16+$0x0] =	vst.idx.add.f32.msk vm3, v11  }
0x17e: {  	[tilespmem:v52+s17+$0x0] =	vst.idx.add.f32.msk vm3, v53  }
0x17f: {  	v51 =	vld [tilespmem:$0x150];
	_ =	sdelay $0x4  }
0x180: {  	vm0 =	vgt.s32 v51, $0x0  }
0x181: {  	v51 =	vnsel vm0, $0x0, v51  }
0x182: {  	v51 =	vmin.u32 v51, $0x50  }
0x183: {  	v51 =	vor.u32 v32, v51;
	_ =	sdelay $0x3  }
0x184: {  	v52 =	vld [tilespmem:$0x650]  }
0x185: {  	v51 =	vld.idx.msk [tilespmem:v51+s13+$0x0], $0xffff;
	_ =	sdelay $0x3  }
0x186: {  	v53 =	vld [tilespmem:$0x3D0]  }
0x187: {  	v51 =	vmax.f32 v51, $9.999999710e-10  }
0x188: {  	v51 =	vmin.f32 v51, $1.000000000e+04  }
0x189: {  	[tilespmem:v52+s15+$0x0] =	vst.idx.add.f32.msk vm2, v51  }
0x18a: {  	[tilespmem:v52+s16+$0x0] =	vst.idx.add.f32.msk vm2, v11  }
0x18b: {  	[tilespmem:v52+s17+$0x0] =	vst.idx.add.f32.msk vm2, v53  }
0x18c: {  	v51 =	vld [tilespmem:$0x160];
	_ =	sdelay $0x4  }
0x18d: {  	vm0 =	vgt.s32 v51, $0x0  }
0x18e: {  	v51 =	vnsel vm0, $0x0, v51  }
0x18f: {  	v51 =	vmin.u32 v51, $0x50  }
0x190: {  	v51 =	vor.u32 v33, v51;
	_ =	sdelay $0x3  }
0x191: {  	v52 =	vld [tilespmem:$0x660]  }
0x192: {  	v51 =	vld.idx.msk [tilespmem:v51+s13+$0x0], $0xffff;
	_ =	sdelay $0x3  }
0x193: {  	v53 =	vld [tilespmem:$0x3E0]  }
0x194: {  	v51 =	vmax.f32 v51, $9.999999710e-10  }
0x195: {  	v51 =	vmin.f32 v51, $1.000000000e+04  }
0x196: {  	[tilespmem:v52+s15+$0x0] =	vst.idx.add.f32.msk vm1, v51  }
0x197: {  	[tilespmem:v52+s16+$0x0] =	vst.idx.add.f32.msk vm1, v11  }
0x198: {  	[tilespmem:v52+s17+$0x0] =	vst.idx.add.f32.msk vm1, v53  }
0x199: {  	v51 =	vld [tilespmem:$0x170];
	_ =	sdelay $0x4  }
0x19a: {  	vm0 =	vgt.s32 v51, $0x0  }
0x19b: {  	v51 =	vnsel vm0, $0x0, v51  }
0x19c: {  	v51 =	vmin.u32 v51, $0x50  }
0x19d: {  	v51 =	vor.u32 v34, v51  }
0x19e: {  	v54 =	vld [tilespmem:$0x1FFC0];
	_ =	sdelay $0x2  }
0x19f: {  	v52 =	vld [tilespmem:$0x670]  }
0x1a0: {  	v51 =	vld.idx.msk [tilespmem:v51+s13+$0x0], $0xffff  }
0x1a1: {  	vm0 =	vnez.u8 v54;
	_ =	sdelay $0x2  }
0x1a2: {  	v53 =	vld [tilespmem:$0x3F0]  }
0x1a3: {  	v51 =	vmax.f32 v51, $9.999999710e-10  }
0x1a4: {  	v51 =	vmin.f32 v51, $1.000000000e+04  }
0x1a5: {  	[tilespmem:v52+s15+$0x0] =	vst.idx.add.f32.msk vm0, v51  }
0x1a6: {  	[tilespmem:v52+s16+$0x0] =	vst.idx.add.f32.msk vm0, v11  }
0x1a7: {  	[tilespmem:v52+s17+$0x0] =	vst.idx.add.f32.msk vm0, v53  }
0x1a8: {  	v51 =	vld [tilespmem:$0x180];
	_ =	sdelay $0x4  }
0x1a9: {  	vm0 =	vgt.s32 v51, $0x0  }
0x1aa: {  	v51 =	vnsel vm0, $0x0, v51  }
0x1ab: {  	v51 =	vmin.u32 v51, $0x50  }
0x1ac: {  	v51 =	vor.u32 v35, v51  }
0x1ad: {  	v62 =	vld [tilespmem:$0x1FFB0];
	_ =	sdelay $0x2  }
0x1ae: {  	v52 =	vld [tilespmem:$0x680]  }
0x1af: {  	v51 =	vld.idx.msk [tilespmem:v51+s13+$0x0], $0xffff  }
0x1b0: {  	vm0 =	vnez.u8 v62;
	_ =	sdelay $0x2  }
0x1b1: {  	v53 =	vld [tilespmem:$0x400]  }
0x1b2: {  	v51 =	vmax.f32 v51, $9.999999710e-10  }
0x1b3: {  	v51 =	vmin.f32 v51, $1.000000000e+04  }
0x1b4: {  	[tilespmem:v52+s15+$0x0] =	vst.idx.add.f32.msk vm0, v51  }
0x1b5: {  	[tilespmem:v52+s16+$0x0] =	vst.idx.add.f32.msk vm0, v11  }
0x1b6: {  	[tilespmem:v52+s17+$0x0] =	vst.idx.add.f32.msk vm0, v53  }
0x1b7: {  	v51 =	vld [tilespmem:$0x190];
	_ =	sdelay $0x4  }
0x1b8: {  	vm0 =	vgt.s32 v51, $0x0  }
0x1b9: {  	v51 =	vnsel vm0, $0x0, v51  }
0x1ba: {  	v51 =	vmin.u32 v51, $0x50  }
0x1bb: {  	v51 =	vor.u32 v36, v51  }
0x1bc: {  	v63 =	vld [tilespmem:$0x1FFA0];
	_ =	sdelay $0x2  }
0x1bd: {  	v52 =	vld [tilespmem:$0x690]  }
0x1be: {  	v51 =	vld.idx.msk [tilespmem:v51+s13+$0x0], $0xffff  }
0x1bf: {  	vm0 =	vnez.u8 v63;
	_ =	sdelay $0x2  }
0x1c0: {  	v53 =	vld [tilespmem:$0x410]  }
0x1c1: {  	v51 =	vmax.f32 v51, $9.999999710e-10  }
0x1c2: {  	v51 =	vmin.f32 v51, $1.000000000e+04  }
0x1c3: {  	[tilespmem:v52+s15+$0x0] =	vst.idx.add.f32.msk vm0, v51  }
0x1c4: {  	[tilespmem:v52+s16+$0x0] =	vst.idx.add.f32.msk vm0, v11  }
0x1c5: {  	[tilespmem:v52+s17+$0x0] =	vst.idx.add.f32.msk vm0, v53  }
0x1c6: {  	v51 =	vld [tilespmem:$0x1A0];
	_ =	sdelay $0x4  }
0x1c7: {  	vm0 =	vgt.s32 v51, $0x0  }
0x1c8: {  	v51 =	vnsel vm0, $0x0, v51  }
0x1c9: {  	v51 =	vmin.u32 v51, $0x50  }
0x1ca: {  	v51 =	vor.u32 v37, v51  }
0x1cb: {  	v57 =	vld [tilespmem:$0x1FF90];
	_ =	sdelay $0x2  }
0x1cc: {  	v52 =	vld [tilespmem:$0x6A0]  }
0x1cd: {  	v51 =	vld.idx.msk [tilespmem:v51+s13+$0x0], $0xffff  }
0x1ce: {  	vm0 =	vnez.u8 v57;
	_ =	sdelay $0x2  }
0x1cf: {  	v53 =	vld [tilespmem:$0x420]  }
0x1d0: {  	v51 =	vmax.f32 v51, $9.999999710e-10  }
0x1d1: {  	v51 =	vmin.f32 v51, $1.000000000e+04  }
0x1d2: {  	[tilespmem:v52+s15+$0x0] =	vst.idx.add.f32.msk vm0, v51  }
0x1d3: {  	[tilespmem:v52+s16+$0x0] =	vst.idx.add.f32.msk vm0, v11  }
0x1d4: {  	[tilespmem:v52+s17+$0x0] =	vst.idx.add.f32.msk vm0, v53  }
0x1d5: {  	v51 =	vld [tilespmem:$0x1B0];
	_ =	sdelay $0x4  }
0x1d6: {  	vm0 =	vgt.s32 v51, $0x0  }
0x1d7: {  	v51 =	vnsel vm0, $0x0, v51  }
0x1d8: {  	v51 =	vmin.u32 v51, $0x50  }
0x1d9: {  	v51 =	vor.u32 v38, v51  }
0x1da: {  	v58 =	vld [tilespmem:$0x1FF80];
	_ =	sdelay $0x2  }
0x1db: {  	v52 =	vld [tilespmem:$0x6B0]  }
0x1dc: {  	v51 =	vld.idx.msk [tilespmem:v51+s13+$0x0], $0xffff  }
0x1dd: {  	vm0 =	vnez.u8 v58;
	_ =	sdelay $0x2  }
0x1de: {  	v53 =	vld [tilespmem:$0x430]  }
0x1df: {  	v51 =	vmax.f32 v51, $9.999999710e-10  }
0x1e0: {  	v51 =	vmin.f32 v51, $1.000000000e+04  }
0x1e1: {  	[tilespmem:v52+s15+$0x0] =	vst.idx.add.f32.msk vm0, v51  }
0x1e2: {  	[tilespmem:v52+s16+$0x0] =	vst.idx.add.f32.msk vm0, v11  }
0x1e3: {  	[tilespmem:v52+s17+$0x0] =	vst.idx.add.f32.msk vm0, v53  }
0x1e4: {  	v51 =	vld [tilespmem:$0x1C0];
	_ =	sdelay $0x4  }
0x1e5: {  	vm0 =	vgt.s32 v51, $0x0  }
0x1e6: {  	v51 =	vnsel vm0, $0x0, v51  }
0x1e7: {  	v51 =	vmin.u32 v51, $0x50  }
0x1e8: {  	v51 =	vor.u32 v39, v51  }
0x1e9: {  	v59 =	vld [tilespmem:$0x1FF70];
	_ =	sdelay $0x2  }
0x1ea: {  	v52 =	vld [tilespmem:$0x6C0]  }
0x1eb: {  	v51 =	vld.idx.msk [tilespmem:v51+s13+$0x0], $0xffff  }
0x1ec: {  	vm0 =	vnez.u8 v59;
	_ =	sdelay $0x2  }
0x1ed: {  	v53 =	vld [tilespmem:$0x440]  }
0x1ee: {  	v51 =	vmax.f32 v51, $9.999999710e-10  }
0x1ef: {  	v51 =	vmin.f32 v51, $1.000000000e+04  }
0x1f0: {  	[tilespmem:v52+s15+$0x0] =	vst.idx.add.f32.msk vm0, v51  }
0x1f1: {  	[tilespmem:v52+s16+$0x0] =	vst.idx.add.f32.msk vm0, v11  }
0x1f2: {  	[tilespmem:v52+s17+$0x0] =	vst.idx.add.f32.msk vm0, v53  }
0x1f3: {  	v51 =	vld [tilespmem:$0x1D0];
	_ =	sdelay $0x4  }
0x1f4: {  	vm0 =	vgt.s32 v51, $0x0  }
0x1f5: {  	v51 =	vnsel vm0, $0x0, v51  }
0x1f6: {  	v51 =	vmin.u32 v51, $0x50  }
0x1f7: {  	v51 =	vor.u32 v40, v51  }
0x1f8: {  	v60 =	vld [tilespmem:$0x1FF60];
	_ =	sdelay $0x2  }
0x1f9: {  	v52 =	vld [tilespmem:$0x6D0]  }
0x1fa: {  	v51 =	vld.idx.msk [tilespmem:v51+s13+$0x0], $0xffff  }
0x1fb: {  	vm0 =	vnez.u8 v60;
	_ =	sdelay $0x2  }
0x1fc: {  	v53 =	vld [tilespmem:$0x450]  }
0x1fd: {  	v51 =	vmax.f32 v51, $9.999999710e-10  }
0x1fe: {  	v51 =	vmin.f32 v51, $1.000000000e+04  }
0x1ff: {  	[tilespmem:v52+s15+$0x0] =	vst.idx.add.f32.msk vm0, v51  }
0x200: {  	[tilespmem:v52+s16+$0x0] =	vst.idx.add.f32.msk vm0, v11  }
0x201: {  	[tilespmem:v52+s17+$0x0] =	vst.idx.add.f32.msk vm0, v53  }
0x202: {  	v51 =	vld [tilespmem:$0x1E0];
	_ =	sdelay $0x4  }
0x203: {  	vm0 =	vgt.s32 v51, $0x0  }
0x204: {  	v51 =	vnsel vm0, $0x0, v51  }
0x205: {  	v51 =	vmin.u32 v51, $0x50  }
0x206: {  	v51 =	vor.u32 v41, v51  }
0x207: {  	v61 =	vld [tilespmem:$0x1FF50];
	_ =	sdelay $0x2  }
0x208: {  	v52 =	vld [tilespmem:$0x6E0]  }
0x209: {  	v51 =	vld.idx.msk [tilespmem:v51+s13+$0x0], $0xffff  }
0x20a: {  	vm0 =	vnez.u8 v61;
	_ =	sdelay $0x2  }
0x20b: {  	v53 =	vld [tilespmem:$0x460]  }
0x20c: {  	v51 =	vmax.f32 v51, $9.999999710e-10  }
0x20d: {  	v51 =	vmin.f32 v51, $1.000000000e+04  }
0x20e: {  	[tilespmem:v52+s15+$0x0] =	vst.idx.add.f32.msk vm0, v51  }
0x20f: {  	[tilespmem:v52+s16+$0x0] =	vst.idx.add.f32.msk vm0, v11  }
0x210: {  	[tilespmem:v52+s17+$0x0] =	vst.idx.add.f32.msk vm0, v53  }
0x211: {  	v51 =	vld [tilespmem:$0x1F0];
	_ =	sdelay $0x4  }
0x212: {  	vm0 =	vgt.s32 v51, $0x0  }
0x213: {  	v51 =	vnsel vm0, $0x0, v51  }
0x214: {  	v51 =	vmin.u32 v51, $0x50  }
0x215: {  	v51 =	vor.u32 v42, v51  }
0x216: {  	v62 =	vld [tilespmem:$0x1FF40];
	_ =	sdelay $0x2  }
0x217: {  	v52 =	vld [tilespmem:$0x6F0]  }
0x218: {  	v51 =	vld.idx.msk [tilespmem:v51+s13+$0x0], $0xffff  }
0x219: {  	vm0 =	vnez.u8 v62;
	_ =	sdelay $0x2  }
0x21a: {  	v53 =	vld [tilespmem:$0x470]  }
0x21b: {  	v51 =	vmax.f32 v51, $9.999999710e-10  }
0x21c: {  	v51 =	vmin.f32 v51, $1.000000000e+04  }
0x21d: {  	[tilespmem:v52+s15+$0x0] =	vst.idx.add.f32.msk vm0, v51  }
0x21e: {  	[tilespmem:v52+s16+$0x0] =	vst.idx.add.f32.msk vm0, v11  }
0x21f: {  	[tilespmem:v52+s17+$0x0] =	vst.idx.add.f32.msk vm0, v53  }
0x220: {  	v51 =	vld [tilespmem:$0x200];
	_ =	sdelay $0x4  }
0x221: {  	vm0 =	vgt.s32 v51, $0x0  }
0x222: {  	v51 =	vnsel vm0, $0x0, v51  }
0x223: {  	v51 =	vmin.u32 v51, $0x50  }
0x224: {  	v51 =	vor.u32 v43, v51  }
0x225: {  	v63 =	vld [tilespmem:$0x1FF30];
	_ =	sdelay $0x2  }
0x226: {  	v52 =	vld [tilespmem:$0x700]  }
0x227: {  	v51 =	vld.idx.msk [tilespmem:v51+s13+$0x0], $0xffff  }
0x228: {  	vm0 =	vnez.u8 v63;
	_ =	sdelay $0x2  }
0x229: {  	v53 =	vld [tilespmem:$0x480]  }
0x22a: {  	v51 =	vmax.f32 v51, $9.999999710e-10  }
0x22b: {  	v51 =	vmin.f32 v51, $1.000000000e+04  }
0x22c: {  	[tilespmem:v52+s15+$0x0] =	vst.idx.add.f32.msk vm0, v51  }
0x22d: {  	[tilespmem:v52+s16+$0x0] =	vst.idx.add.f32.msk vm0, v11  }
0x22e: {  	[tilespmem:v52+s17+$0x0] =	vst.idx.add.f32.msk vm0, v53  }
0x22f: {  	v51 =	vld [tilespmem:$0x210];
	_ =	sdelay $0x4  }
0x230: {  	vm0 =	vgt.s32 v51, $0x0  }
0x231: {  	v51 =	vnsel vm0, $0x0, v51  }
0x232: {  	v51 =	vmin.u32 v51, $0x50  }
0x233: {  	v51 =	vor.u32 v44, v51  }
0x234: {  	v57 =	vld [tilespmem:$0x1FF20];
	_ =	sdelay $0x2  }
0x235: {  	v52 =	vld [tilespmem:$0x710]  }
0x236: {  	v51 =	vld.idx.msk [tilespmem:v51+s13+$0x0], $0xffff  }
0x237: {  	vm0 =	vnez.u8 v57;
	_ =	sdelay $0x2  }
0x238: {  	v53 =	vld [tilespmem:$0x490]  }
0x239: {  	v51 =	vmax.f32 v51, $9.999999710e-10  }
0x23a: {  	v51 =	vmin.f32 v51, $1.000000000e+04  }
0x23b: {  	[tilespmem:v52+s15+$0x0] =	vst.idx.add.f32.msk vm0, v51  }
0x23c: {  	[tilespmem:v52+s16+$0x0] =	vst.idx.add.f32.msk vm0, v11  }
0x23d: {  	[tilespmem:v52+s17+$0x0] =	vst.idx.add.f32.msk vm0, v53  }
0x23e: {  	v51 =	vld [tilespmem:$0x220];
	_ =	sdelay $0x4  }
0x23f: {  	vm0 =	vgt.s32 v51, $0x0  }
0x240: {  	v51 =	vnsel vm0, $0x0, v51  }
0x241: {  	v51 =	vmin.u32 v51, $0x50  }
0x242: {  	v51 =	vor.u32 v45, v51  }
0x243: {  	v58 =	vld [tilespmem:$0x1FF10];
	_ =	sdelay $0x2  }
0x244: {  	v52 =	vld [tilespmem:$0x720]  }
0x245: {  	v51 =	vld.idx.msk [tilespmem:v51+s13+$0x0], $0xffff  }
0x246: {  	vm0 =	vnez.u8 v58;
	_ =	sdelay $0x2  }
0x247: {  	v53 =	vld [tilespmem:$0x4A0]  }
0x248: {  	v51 =	vmax.f32 v51, $9.999999710e-10  }
0x249: {  	v51 =	vmin.f32 v51, $1.000000000e+04  }
0x24a: {  	[tilespmem:v52+s15+$0x0] =	vst.idx.add.f32.msk vm0, v51  }
0x24b: {  	[tilespmem:v52+s16+$0x0] =	vst.idx.add.f32.msk vm0, v11  }
0x24c: {  	[tilespmem:v52+s17+$0x0] =	vst.idx.add.f32.msk vm0, v53  }
0x24d: {  	v51 =	vld [tilespmem:$0x230];
	_ =	sdelay $0x4  }
0x24e: {  	vm0 =	vgt.s32 v51, $0x0  }
0x24f: {  	v51 =	vnsel vm0, $0x0, v51  }
0x250: {  	v51 =	vmin.u32 v51, $0x50  }
0x251: {  	v51 =	vor.u32 v46, v51  }
0x252: {  	v59 =	vld [tilespmem:$0x1FF00];
	_ =	sdelay $0x2  }
0x253: {  	v52 =	vld [tilespmem:$0x730]  }
0x254: {  	v51 =	vld.idx.msk [tilespmem:v51+s13+$0x0], $0xffff  }
0x255: {  	vm0 =	vnez.u8 v59;
	_ =	sdelay $0x2  }
0x256: {  	v53 =	vld [tilespmem:$0x4B0]  }
0x257: {  	v51 =	vmax.f32 v51, $9.999999710e-10  }
0x258: {  	v51 =	vmin.f32 v51, $1.000000000e+04  }
0x259: {  	[tilespmem:v52+s15+$0x0] =	vst.idx.add.f32.msk vm0, v51  }
0x25a: {  	[tilespmem:v52+s16+$0x0] =	vst.idx.add.f32.msk vm0, v11  }
0x25b: {  	[tilespmem:v52+s17+$0x0] =	vst.idx.add.f32.msk vm0, v53  }
0x25c: {  	v51 =	vld [tilespmem:$0x240];
	_ =	sdelay $0x4  }
0x25d: {  	vm0 =	vgt.s32 v51, $0x0  }
0x25e: {  	v51 =	vnsel vm0, $0x0, v51  }
0x25f: {  	v51 =	vmin.u32 v51, $0x50  }
0x260: {  	v51 =	vor.u32 v47, v51  }
0x261: {  	v60 =	vld [tilespmem:$0x1FEF0];
	_ =	sdelay $0x2  }
0x262: {  	v52 =	vld [tilespmem:$0x740]  }
0x263: {  	v51 =	vld.idx.msk [tilespmem:v51+s13+$0x0], $0xffff  }
0x264: {  	vm0 =	vnez.u8 v60;
	_ =	sdelay $0x2  }
0x265: {  	v53 =	vld [tilespmem:$0x4C0]  }
0x266: {  	v51 =	vmax.f32 v51, $9.999999710e-10  }
0x267: {  	v51 =	vmin.f32 v51, $1.000000000e+04  }
0x268: {  	[tilespmem:v52+s15+$0x0] =	vst.idx.add.f32.msk vm0, v51  }
0x269: {  	[tilespmem:v52+s16+$0x0] =	vst.idx.add.f32.msk vm0, v11  }
0x26a: {  	[tilespmem:v52+s17+$0x0] =	vst.idx.add.f32.msk vm0, v53  }
0x26b: {  	v51 =	vld [tilespmem:$0x250];
	_ =	sdelay $0x4  }
0x26c: {  	vm0 =	vgt.s32 v51, $0x0  }
0x26d: {  	v51 =	vnsel vm0, $0x0, v51  }
0x26e: {  	v51 =	vmin.u32 v51, $0x50  }
0x26f: {  	v51 =	vor.u32 v48, v51  }
0x270: {  	v61 =	vld [tilespmem:$0x1FEE0];
	_ =	sdelay $0x2  }
0x271: {  	v52 =	vld [tilespmem:$0x750]  }
0x272: {  	v51 =	vld.idx.msk [tilespmem:v51+s13+$0x0], $0xffff  }
0x273: {  	vm0 =	vnez.u8 v61;
	_ =	sdelay $0x2  }
0x274: {  	v53 =	vld [tilespmem:$0x4D0]  }
0x275: {  	v51 =	vmax.f32 v51, $9.999999710e-10  }
0x276: {  	v51 =	vmin.f32 v51, $1.000000000e+04  }
0x277: {  	[tilespmem:v52+s15+$0x0] =	vst.idx.add.f32.msk vm0, v51  }
0x278: {  	[tilespmem:v52+s16+$0x0] =	vst.idx.add.f32.msk vm0, v11  }
0x279: {  	[tilespmem:v52+s17+$0x0] =	vst.idx.add.f32.msk vm0, v53  }
0x27a: {  	v51 =	vld [tilespmem:$0x260];
	_ =	sdelay $0x4  }
0x27b: {  	vm0 =	vgt.s32 v51, $0x0  }
0x27c: {  	v51 =	vnsel vm0, $0x0, v51  }
0x27d: {  	v51 =	vmin.u32 v51, $0x50  }
0x27e: {  	v51 =	vor.u32 v49, v51  }
0x27f: {  	v62 =	vld [tilespmem:$0x1FED0];
	_ =	sdelay $0x2  }
0x280: {  	v52 =	vld [tilespmem:$0x760]  }
0x281: {  	v51 =	vld.idx.msk [tilespmem:v51+s13+$0x0], $0xffff  }
0x282: {  	vm0 =	vnez.u8 v62;
	_ =	sdelay $0x2  }
0x283: {  	v53 =	vld [tilespmem:$0x4E0]  }
0x284: {  	v51 =	vmax.f32 v51, $9.999999710e-10  }
0x285: {  	v51 =	vmin.f32 v51, $1.000000000e+04  }
0x286: {  	[tilespmem:v52+s15+$0x0] =	vst.idx.add.f32.msk vm0, v51  }
0x287: {  	[tilespmem:v52+s16+$0x0] =	vst.idx.add.f32.msk vm0, v11  }
0x288: {  	[tilespmem:v52+s17+$0x0] =	vst.idx.add.f32.msk vm0, v53  }
0x289: {  	v51 =	vld [tilespmem:$0x270];
	_ =	sdelay $0x4  }
0x28a: {  	vm0 =	vgt.s32 v51, $0x0  }
0x28b: {  	v51 =	vnsel vm0, $0x0, v51  }
0x28c: {  	v51 =	vmin.u32 v51, $0x50  }
0x28d: {  	v51 =	vor.u32 v50, v51  }
0x28e: {  	v63 =	vld [tilespmem:$0x1FEC0];
	_ =	sdelay $0x2  }
0x28f: {  	v52 =	vld [tilespmem:$0x770]  }
0x290: {  	v51 =	vld.idx.msk [tilespmem:v51+s13+$0x0], $0xffff  }
0x291: {  	vm0 =	vnez.u8 v63;
	_ =	sdelay $0x2  }
0x292: {  	v53 =	vld [tilespmem:$0x4F0]  }
0x293: {  	v51 =	vmax.f32 v51, $9.999999710e-10  }
0x294: {  	v51 =	vmin.f32 v51, $1.000000000e+04  }
0x295: {  	[tilespmem:v52+s15+$0x0] =	vst.idx.add.f32.msk vm0, v51  }
0x296: {  	[tilespmem:v52+s16+$0x0] =	vst.idx.add.f32.msk vm0, v11  }
0x297: {  	[tilespmem:v52+s17+$0x0] =	vst.idx.add.f32.msk vm0, v53  }
0x298: {  	[hbm4b:s7+s2] =	stream.linear.scatter [tilespmem:s15], [sflag:$0x2], $0x80, $0x38;
	[tilespmem:$0x14900] =	vst v63  }
0x299: {  	_ =	swait.ge [sflag:s18], $0x80  }
0x29a: {  	[sflag:s18] =	ssyncset.done $0x0  }
0x29b: {  	[sflag:s18] =	ssyncadd.s32 $0xFFFFFF80  }
0x29c: {  	[hbm4b:s8+s2] =	stream.linear.scatter [tilespmem:s16], [sflag:$0x2], $0x80, $0x38;
	[tilespmem:$0x14900] =	vst v63  }
0x29d: {  	_ =	swait.ge [sflag:s18], $0x80  }
0x29e: {  	p0 =	sne.s32 s10, $0x1;
	[sflag:s18] =	ssyncset.done $0x0  }
.Ltmp0:
0x29f: {  	[sflag:s18] =	ssyncadd.s32 $0xFFFFFF80;
	(pc) =	sbr.rel @p0 .LBB2_1-.Ltmp0, $4  }
0x2a0: {  	[hbm4b:s9+s2] =	stream.linear.scatter [tilespmem:s17], [sflag:$0x2], $0x80, $0x38;
	[tilespmem:$0x14900] =	vst v63  }
0x2a1: {  	_ =	swait.ge [sflag:s18], $0x80  }
0x2a2: {  	[sflag:s18] =	ssyncset.done $0x0  }
0x2a3: {  	s10 =	sadd.s32 $0xFFFFFFFF, s10;
	[sflag:s18] =	ssyncadd.s32 $0xFFFFFF80  }
0x2a4: {  	_ =	sfence.sel $0x180000  }
0x2a5: {  	[bflag:$0x0] =	sbarrier.arrive $0xFFFF  }
0x2a6: {  	p0 =	sne.s32 s0, $0x0;
	_ =	strace $0x90000047  }
0x2a7: {  	s0 =	sadd.s32 @!p0 $0x100000, s1;
	[bflag:$0x2] =	sbarrier.arrive $0xFFFF  }
0x2a8: {  	[sflag:s0] =	ssyncadd.tile.s32 @!p0 $0x1;
	_ =	shalt  }
.Lfunc_end2:
_tile_overlayer_lowered:
.L_overlay_start_2:
0x2a9: {  	(tag) =	ssettag $0x2  }
0x2aa: {  	s0 =	rddreg [dreg:$0x0];
	s2 =	stileid.u32  }
0x2ab: {  	s1 =	rddreg [dreg:$0x1];
	p0 =	sne.s32 s2, $0x0  }
0x2ac: {  	s3 =	rddreg [dreg:$0x2];
	[bflag:$0x3] =	sbarrier.arrive $0xFFFF;
	s2 =	simm.s32 @!p0 $0x1C02  }
0x2ad: {  	[timem:s3], [sflag:s2] =	dma.local @!p0 [hbm:s0], s1  }
0x2ae: {  	s0 =	simm.s32 @!p0 $0x2  }
0x2af: {  	_ =	swait.ge @!p0 [sflag:s0], s1  }
0x2b0: {  	s1 =	ssub.s32 @!p0 $0x0, s1;
	[sflag:s0] =	ssyncset.done @!p0 $0x0  }
0x2b1: {  	[sflag:s0] =	ssyncadd.s32 @!p0 s1  }
0x2b2: {  	[bflag:$0x3] =	sbarrier.arrive $0xFFFF  }
0x2b3: {  	_ =	shalt  }

</sc_bundles>
